<compile_context>
chip_gen: v7x
topology: tpu7x:2x2x1
jax: 0.10.2.dev20260603
libtpu: 0.0.44.dev20260713+nightly
codegen_flags: <defaults>
</compile_context>

<pallas_src>
import functools

import jax
import jax.numpy as jnp
from jax import lax
from jax.experimental import pallas as pl
from jax.experimental.pallas import tpu as pltpu
from jax.experimental.pallas import tpu_sc as plsc

B = 16384
D = 32
NC = 2
NS = 16
NW = NC * NS
BPW = B // NW
NBUF = 16


def _body(uid, iid, cid, tu, ti, tc, out, idx_v, grp, sem):
    wid = lax.axis_index("s") * NC + lax.axis_index("c")
    base = wid * BPW
    pltpu.sync_copy(uid.at[pl.ds(base, BPW)], idx_v)

    def outer(o, carry):
        v16 = idx_v[pl.ds(o * NBUF, NBUF)]

        @pl.when(o > 0)
        def _():
            for b in range(NBUF):
                pltpu.make_async_copy(tu.at[pl.ds(0, 8)], grp.at[b], sem).wait()
        for b in range(NBUF):
            v = v16[b]
            g8 = pl.multiple_of((v >> 3) * 8, 8)
            pltpu.async_copy(tu.at[pl.ds(g8, 8)], grp.at[b], sem)
        return carry

    lax.fori_loop(0, BPW // NBUF, outer, 0)
    for b in range(NBUF):
        pltpu.make_async_copy(tu.at[pl.ds(0, 8)], grp.at[b], sem).wait()
    pltpu.sync_copy(grp.at[0], out.at[0, pl.ds(base, 8)])


@jax.jit
def kernel(user_id, item_id, category_id, table_user_id, table_item_id,
           table_category_id):
    mesh = plsc.VectorSubcoreMesh(core_axis_name="c", subcore_axis_name="s")
    k = pl.kernel(
        _body,
        out_type=jax.ShapeDtypeStruct((3, B, D), jnp.float32),
        mesh=mesh,
        scratch_types=[
            pltpu.VMEM((BPW,), jnp.int32),
            pltpu.VMEM((NBUF, 8, D), jnp.float32),
            pltpu.SemaphoreType.DMA,
        ],
    )
    out3 = k(user_id + 1, item_id + 1, category_id + 1,
             table_user_id, table_item_id, table_category_id)
    return jnp.concatenate([out3[0], out3[1], out3[2]], axis=1)

# --- scband reference (transcript-rebuilt; emitter-appended) ---
"""Pipeline reference for scband-user-model-54374285967811 (READ-ONLY COPY).

The authoritative reference and input builder live on the scoring server;
editing this copy changes nothing except your own understanding.
"""

import jax, jax.numpy as jnp
import numpy as np

B = 16384
D = 32
VOCAB = {"user_id": 1000000, "item_id": 1000000, "category_id": 1000}


def setup_inputs(seed: int = 0) -> dict:
    key = jax.random.key(seed)
    inp = {}
    for i, (name, v) in enumerate(VOCAB.items()):
        kid = jax.random.fold_in(key, i)
        inp[name] = jax.random.randint(kid, (B,), 0, v, dtype=jnp.int32)
        kt = jax.random.fold_in(key, 100 + i)
        # Embedding table of size vocab+1: IntegerLookup with mask_token=None reserves
        # index 0 for OOV, known vocabulary entries map to indices 1..V.
        inp["table_" + name] = jax.random.normal(kt, (v + 1, D), dtype=jnp.float32) * 0.05
    return inp


def reference(user_id, item_id, category_id, table_user_id, table_item_id, table_category_id):
    # IntegerLookup(vocabulary=arange(V), mask_token=None): id -> id + 1 (0 is OOV).
    # Embedding: jnp.take(table, idx, axis=0). Concat along feature axis (axis=1).
    outs = []
    for ids, table in ((user_id, table_user_id), (item_id, table_item_id), (category_id, table_category_id)):
        idx = ids + 1
        outs.append(jnp.take(table, idx, axis=0))
    return jnp.concatenate(outs, axis=1)

if __name__ == "__main__":
    import jax
    _d = setup_inputs()
    print(jax.jit(kernel)(*tuple(_d.values())))

</pallas_src>

<mosaic_0001>
#map = affine_map<(d0, d1) -> (0)>
#map1 = affine_map<(d0, d1) -> (0, 0)>
#map2 = affine_map<(d0, d1) -> (0, 0, 0)>
module attributes {stable_mosaic.version = 14 : i64} {
  func.func @_body(%arg0: i32, %arg1: i32, %arg2: memref<16384xi32, #tpu.memory_space<hbm>>, %arg3: memref<1000001x32xf32, #tpu.memory_space<hbm>>, %arg4: memref<16384xi32, #tpu.memory_space<hbm>>, %arg5: memref<1000001x32xf32, #tpu.memory_space<hbm>>, %arg6: memref<16384xi32, #tpu.memory_space<hbm>>, %arg7: memref<1001x32xf32, #tpu.memory_space<hbm>>, %arg8: memref<3x16384x32xf32, #tpu.memory_space<hbm>>, %arg9: memref<512xi32, #tpu.memory_space<vmem>>, %arg10: memref<16x8x32xf32, #tpu.memory_space<vmem>>, %arg11: memref<!tpu.dma_semaphore, #tpu.memory_space<semaphore_mem>>) attributes {dimension_semantics = [#tpu.dimension_semantics<core_parallel>, #tpu.dimension_semantics<subcore_parallel>], iteration_bounds = array<i64: 2, 16>, scalar_prefetch = 0 : i64, scratch_operands = 3 : i64, tpu.core_type = #tpu.core_type<sc_vector_subcore>, window_params = [{transform_indices = #map}, {transform_indices = #map1}, {transform_indices = #map}, {transform_indices = #map1}, {transform_indices = #map}, {transform_indices = #map1}, {transform_indices = #map2}]} {
    %mul3A = arith.constant 2 : i32
    %mul3A_0 = arith.muli %arg1, %mul3A : i32
    %add3A = arith.addi %mul3A_0, %arg0 : i32
    %mul3A_1 = arith.constant 512 : i32
    %mul3A_2 = arith.muli %add3A, %mul3A_1 : i32
    "tpu.region"() ({
      %run_scoped3A_248 = tpu.sem_alloc : memref<!tpu.dma_semaphore, #tpu.memory_space<semaphore_mem>>
      %dma_start3A = tpu.memref_slice %arg2[%mul3A_2] : memref<16384xi32, #tpu.memory_space<hbm>> -> memref<512xi32, #tpu.memory_space<hbm>>
      %dma_start3A_249 = tpu.memref_slice %arg2[%mul3A_2] : memref<16384xi32, #tpu.memory_space<hbm>> -> memref<512xi32, #tpu.memory_space<hbm>>
      tpu.enqueue_dma source(%dma_start3A_249 : memref<512xi32, #tpu.memory_space<hbm>>) target(%arg9 : memref<512xi32, #tpu.memory_space<vmem>>) target_semaphore(%run_scoped3A_248 : memref<!tpu.dma_semaphore, #tpu.memory_space<semaphore_mem>>)
      %dma_wait3A_250 = tpu.memref_slice %arg2[%mul3A_2] : memref<16384xi32, #tpu.memory_space<hbm>> -> memref<512xi32, #tpu.memory_space<hbm>>
      %dma_wait3A_251 = tpu.memref_slice %arg2[%mul3A_2] : memref<16384xi32, #tpu.memory_space<hbm>> -> memref<512xi32, #tpu.memory_space<hbm>>
      tpu.wait_dma2 semaphore(%run_scoped3A_248 : memref<!tpu.dma_semaphore, #tpu.memory_space<semaphore_mem>>) src(%dma_wait3A_251 : memref<512xi32, #tpu.memory_space<hbm>>) dst(%arg9 : memref<512xi32, #tpu.memory_space<vmem>>)
      tpu.yield
    }) : () -> ()
    %scan3A = arith.constant 0 : i32
    %scan3A_3 = arith.constant 0 : i32
    %scan3A_4 = arith.constant 32 : i32
    %scan3A_5 = arith.addi %scan3A_3, %scan3A_4 : i32
    %scan3A_6 = arith.constant 1 : i32
    scf.for %scan3A_248 = %scan3A_3 to %scan3A_5 step %scan3A_6  : i32 {
      %mul3A_249 = arith.constant 16 : i32
      %mul3A_250 = arith.muli %scan3A_248, %mul3A_249 : i32
      %get3A = arith.index_cast %mul3A_250 : i32 to index
      %get3A_251 = tpu.vector_load %arg9[%get3A] {strides = array<i32>} : memref<512xi32, #tpu.memory_space<vmem>>, vector<16xi32>,
      %get3A_252 = vector.shape_cast %get3A_251 : vector<16xi32> to vector<16xi32>
      %gt3A = arith.constant 0 : i32
      %gt3A_253 = arith.cmpi sgt, %scan3A_248, %gt3A : i32
      %convert_element_type3A = arith.extui %gt3A_253 : i1 to i32
      %cond3A = arith.constant 0 : i32
      %cond3A_254 = arith.cmpi ne, %convert_element_type3A, %cond3A : i32
      scf.if %cond3A_254 {
        %dma_wait3A_570 = arith.constant 0 : i32
        %dma_wait3A_571 = arith.constant 0 : i32
        %dma_wait3A_572 = arith.constant 0 : i32
        %dma_wait3A_573 = tpu.memref_slice %arg10[%dma_wait3A_570, %dma_wait3A_571, %dma_wait3A_572] : memref<16x8x32xf32, #tpu.memory_space<vmem>> -> memref<1x8x32xf32, #tpu.memory_space<vmem>>
        %dma_wait3A_574 = tpu.memref_squeeze %dma_wait3A_573 : memref<1x8x32xf32, #tpu.memory_space<vmem>> -> memref<8x32xf32, #tpu.memory_space<vmem>>
        %dma_wait3A_575 = arith.constant 0 : i32
        %dma_wait3A_576 = arith.constant 0 : i32
        %dma_wait3A_577 = tpu.memref_slice %arg5[%dma_wait3A_575, %dma_wait3A_576] : memref<1000001x32xf32, #tpu.memory_space<hbm>> -> memref<8x32xf32, #tpu.memory_space<hbm>>
        %dma_wait3A_578 = arith.constant 0 : i32
        %dma_wait3A_579 = arith.constant 0 : i32
        %dma_wait3A_580 = tpu.memref_slice %arg10[%dma_wait3A_570, %dma_wait3A_578, %dma_wait3A_579] : memref<16x8x32xf32, #tpu.memory_space<vmem>> -> memref<1x8x32xf32, #tpu.memory_space<vmem>>
        %dma_wait3A_581 = tpu.memref_squeeze %dma_wait3A_580 : memref<1x8x32xf32, #tpu.memory_space<vmem>> -> memref<8x32xf32, #tpu.memory_space<vmem>>
        %dma_wait3A_582 = arith.constant 0 : i32
        %dma_wait3A_583 = arith.constant 0 : i32
        %dma_wait3A_584 = tpu.memref_slice %arg5[%dma_wait3A_582, %dma_wait3A_583] : memref<1000001x32xf32, #tpu.memory_space<hbm>> -> memref<8x32xf32, #tpu.memory_space<hbm>>
        tpu.wait_dma2 semaphore(%arg11 : memref<!tpu.dma_semaphore, #tpu.memory_space<semaphore_mem>>) src(%dma_wait3A_584 : memref<8x32xf32, #tpu.memory_space<hbm>>) dst(%dma_wait3A_581 : memref<8x32xf32, #tpu.memory_space<vmem>>)
        %dma_wait3A_585 = arith.constant 1 : i32
        %dma_wait3A_586 = arith.constant 0 : i32
        %dma_wait3A_587 = arith.constant 0 : i32
        %dma_wait3A_588 = tpu.memref_slice %arg10[%dma_wait3A_585, %dma_wait3A_586, %dma_wait3A_587] : memref<16x8x32xf32, #tpu.memory_space<vmem>> -> memref<1x8x32xf32, #tpu.memory_space<vmem>>
        %dma_wait3A_589 = tpu.memref_squeeze %dma_wait3A_588 : memref<1x8x32xf32, #tpu.memory_space<vmem>> -> memref<8x32xf32, #tpu.memory_space<vmem>>
        %dma_wait3A_590 = arith.constant 0 : i32
        %dma_wait3A_591 = arith.constant 0 : i32
        %dma_wait3A_592 = tpu.memref_slice %arg5[%dma_wait3A_590, %dma_wait3A_591] : memref<1000001x32xf32, #tpu.memory_space<hbm>> -> memref<8x32xf32, #tpu.memory_space<hbm>>
        %dma_wait3A_593 = arith.constant 0 : i32
        %dma_wait3A_594 = arith.constant 0 : i32
        %dma_wait3A_595 = tpu.memref_slice %arg10[%dma_wait3A_585, %dma_wait3A_593, %dma_wait3A_594] : memref<16x8x32xf32, #tpu.memory_space<vmem>> -> memref<1x8x32xf32, #tpu.memory_space<vmem>>
        %dma_wait3A_596 = tpu.memref_squeeze %dma_wait3A_595 : memref<1x8x32xf32, #tpu.memory_space<vmem>> -> memref<8x32xf32, #tpu.memory_space<vmem>>
        %dma_wait3A_597 = arith.constant 0 : i32
        %dma_wait3A_598 = arith.constant 0 : i32
        %dma_wait3A_599 = tpu.memref_slice %arg5[%dma_wait3A_597, %dma_wait3A_598] : memref<1000001x32xf32, #tpu.memory_space<hbm>> -> memref<8x32xf32, #tpu.memory_space<hbm>>
        tpu.wait_dma2 semaphore(%arg11 : memref<!tpu.dma_semaphore, #tpu.memory_space<semaphore_mem>>) src(%dma_wait3A_599 : memref<8x32xf32, #tpu.memory_space<hbm>>) dst(%dma_wait3A_596 : memref<8x32xf32, #tpu.memory_space<vmem>>)
        %dma_wait3A_600 = arith.constant 2 : i32
        %dma_wait3A_601 = arith.constant 0 : i32
        %dma_wait3A_602 = arith.constant 0 : i32
        %dma_wait3A_603 = tpu.memref_slice %arg10[%dma_wait3A_600, %dma_wait3A_601, %dma_wait3A_602] : memref<16x8x32xf32, #tpu.memory_space<vmem>> -> memref<1x8x32xf32, #tpu.memory_space<vmem>>
        %dma_wait3A_604 = tpu.memref_squeeze %dma_wait3A_603 : memref<1x8x32xf32, #tpu.memory_space<vmem>> -> memref<8x32xf32, #tpu.memory_space<vmem>>
        %dma_wait3A_605 = arith.constant 0 : i32
        %dma_wait3A_606 = arith.constant 0 : i32
        %dma_wait3A_607 = tpu.memref_slice %arg5[%dma_wait3A_605, %dma_wait3A_606] : memref<1000001x32xf32, #tpu.memory_space<hbm>> -> memref<8x32xf32, #tpu.memory_space<hbm>>
        %dma_wait3A_608 = arith.constant 0 : i32
        %dma_wait3A_609 = arith.constant 0 : i32
        %dma_wait3A_610 = tpu.memref_slice %arg10[%dma_wait3A_600, %dma_wait3A_608, %dma_wait3A_609] : memref<16x8x32xf32, #tpu.memory_space<vmem>> -> memref<1x8x32xf32, #tpu.memory_space<vmem>>
        %dma_wait3A_611 = tpu.memref_squeeze %dma_wait3A_610 : memref<1x8x32xf32, #tpu.memory_space<vmem>> -> memref<8x32xf32, #tpu.memory_space<vmem>>
        %dma_wait3A_612 = arith.constant 0 : i32
        %dma_wait3A_613 = arith.constant 0 : i32
        %dma_wait3A_614 = tpu.memref_slice %arg5[%dma_wait3A_612, %dma_wait3A_613] : memref<1000001x32xf32, #tpu.memory_space<hbm>> -> memref<8x32xf32, #tpu.memory_space<hbm>>
        tpu.wait_dma2 semaphore(%arg11 : memref<!tpu.dma_semaphore, #tpu.memory_space<semaphore_mem>>) src(%dma_wait3A_614 : memref<8x32xf32, #tpu.memory_space<hbm>>) dst(%dma_wait3A_611 : memref<8x32xf32, #tpu.memory_space<vmem>>)
        %dma_wait3A_615 = arith.constant 3 : i32
        %dma_wait3A_616 = arith.constant 0 : i32
        %dma_wait3A_617 = arith.constant 0 : i32
        %dma_wait3A_618 = tpu.memref_slice %arg10[%dma_wait3A_615, %dma_wait3A_616, %dma_wait3A_617] : memref<16x8x32xf32, #tpu.memory_space<vmem>> -> memref<1x8x32xf32, #tpu.memory_space<vmem>>
        %dma_wait3A_619 = tpu.memref_squeeze %dma_wait3A_618 : memref<1x8x32xf32, #tpu.memory_space<vmem>> -> memref<8x32xf32, #tpu.memory_space<vmem>>
        %dma_wait3A_620 = arith.constant 0 : i32
        %dma_wait3A_621 = arith.constant 0 : i32
        %dma_wait3A_622 = tpu.memref_slice %arg5[%dma_wait3A_620, %dma_wait3A_621] : memref<1000001x32xf32, #tpu.memory_space<hbm>> -> memref<8x32xf32, #tpu.memory_space<hbm>>
        %dma_wait3A_623 = arith.constant 0 : i32
        %dma_wait3A_624 = arith.constant 0 : i32
        %dma_wait3A_625 = tpu.memref_slice %arg10[%dma_wait3A_615, %dma_wait3A_623, %dma_wait3A_624] : memref<16x8x32xf32, #tpu.memory_space<vmem>> -> memref<1x8x32xf32, #tpu.memory_space<vmem>>
        %dma_wait3A_626 = tpu.memref_squeeze %dma_wait3A_625 : memref<1x8x32xf32, #tpu.memory_space<vmem>> -> memref<8x32xf32, #tpu.memory_space<vmem>>
        %dma_wait3A_627 = arith.constant 0 : i32
        %dma_wait3A_628 = arith.constant 0 : i32
        %dma_wait3A_629 = tpu.memref_slice %arg5[%dma_wait3A_627, %dma_wait3A_628] : memref<1000001x32xf32, #tpu.memory_space<hbm>> -> memref<8x32xf32, #tpu.memory_space<hbm>>
        tpu.wait_dma2 semaphore(%arg11 : memref<!tpu.dma_semaphore, #tpu.memory_space<semaphore_mem>>) src(%dma_wait3A_629 : memref<8x32xf32, #tpu.memory_space<hbm>>) dst(%dma_wait3A_626 : memref<8x32xf32, #tpu.memory_space<vmem>>)
        %dma_wait3A_630 = arith.constant 4 : i32
        %dma_wait3A_631 = arith.constant 0 : i32
        %dma_wait3A_632 = arith.constant 0 : i32
        %dma_wait3A_633 = tpu.memref_slice %arg10[%dma_wait3A_630, %dma_wait3A_631, %dma_wait3A_632] : memref<16x8x32xf32, #tpu.memory_space<vmem>> -> memref<1x8x32xf32, #tpu.memory_space<vmem>>
        %dma_wait3A_634 = tpu.memref_squeeze %dma_wait3A_633 : memref<1x8x32xf32, #tpu.memory_space<vmem>> -> memref<8x32xf32, #tpu.memory_space<vmem>>
        %dma_wait3A_635 = arith.constant 0 : i32
        %dma_wait3A_636 = arith.constant 0 : i32
        %dma_wait3A_637 = tpu.memref_slice %arg5[%dma_wait3A_635, %dma_wait3A_636] : memref<1000001x32xf32, #tpu.memory_space<hbm>> -> memref<8x32xf32, #tpu.memory_space<hbm>>
        %dma_wait3A_638 = arith.constant 0 : i32
        %dma_wait3A_639 = arith.constant 0 : i32
        %dma_wait3A_640 = tpu.memref_slice %arg10[%dma_wait3A_630, %dma_wait3A_638, %dma_wait3A_639] : memref<16x8x32xf32, #tpu.memory_space<vmem>> -> memref<1x8x32xf32, #tpu.memory_space<vmem>>
        %dma_wait3A_641 = tpu.memref_squeeze %dma_wait3A_640 : memref<1x8x32xf32, #tpu.memory_space<vmem>> -> memref<8x32xf32, #tpu.memory_space<vmem>>
        %dma_wait3A_642 = arith.constant 0 : i32
        %dma_wait3A_643 = arith.constant 0 : i32
        %dma_wait3A_644 = tpu.memref_slice %arg5[%dma_wait3A_642, %dma_wait3A_643] : memref<1000001x32xf32, #tpu.memory_space<hbm>> -> memref<8x32xf32, #tpu.memory_space<hbm>>
        tpu.wait_dma2 semaphore(%arg11 : memref<!tpu.dma_semaphore, #tpu.memory_space<semaphore_mem>>) src(%dma_wait3A_644 : memref<8x32xf32, #tpu.memory_space<hbm>>) dst(%dma_wait3A_641 : memref<8x32xf32, #tpu.memory_space<vmem>>)
        %dma_wait3A_645 = arith.constant 5 : i32
        %dma_wait3A_646 = arith.constant 0 : i32
        %dma_wait3A_647 = arith.constant 0 : i32
        %dma_wait3A_648 = tpu.memref_slice %arg10[%dma_wait3A_645, %dma_wait3A_646, %dma_wait3A_647] : memref<16x8x32xf32, #tpu.memory_space<vmem>> -> memref<1x8x32xf32, #tpu.memory_space<vmem>>
        %dma_wait3A_649 = tpu.memref_squeeze %dma_wait3A_648 : memref<1x8x32xf32, #tpu.memory_space<vmem>> -> memref<8x32xf32, #tpu.memory_space<vmem>>
        %dma_wait3A_650 = arith.constant 0 : i32
        %dma_wait3A_651 = arith.constant 0 : i32
        %dma_wait3A_652 = tpu.memref_slice %arg5[%dma_wait3A_650, %dma_wait3A_651] : memref<1000001x32xf32, #tpu.memory_space<hbm>> -> memref<8x32xf32, #tpu.memory_space<hbm>>
        %dma_wait3A_653 = arith.constant 0 : i32
        %dma_wait3A_654 = arith.constant 0 : i32
        %dma_wait3A_655 = tpu.memref_slice %arg10[%dma_wait3A_645, %dma_wait3A_653, %dma_wait3A_654] : memref<16x8x32xf32, #tpu.memory_space<vmem>> -> memref<1x8x32xf32, #tpu.memory_space<vmem>>
        %dma_wait3A_656 = tpu.memref_squeeze %dma_wait3A_655 : memref<1x8x32xf32, #tpu.memory_space<vmem>> -> memref<8x32xf32, #tpu.memory_space<vmem>>
        %dma_wait3A_657 = arith.constant 0 : i32
        %dma_wait3A_658 = arith.constant 0 : i32
        %dma_wait3A_659 = tpu.memref_slice %arg5[%dma_wait3A_657, %dma_wait3A_658] : memref<1000001x32xf32, #tpu.memory_space<hbm>> -> memref<8x32xf32, #tpu.memory_space<hbm>>
        tpu.wait_dma2 semaphore(%arg11 : memref<!tpu.dma_semaphore, #tpu.memory_space<semaphore_mem>>) src(%dma_wait3A_659 : memref<8x32xf32, #tpu.memory_space<hbm>>) dst(%dma_wait3A_656 : memref<8x32xf32, #tpu.memory_space<vmem>>)
        %dma_wait3A_660 = arith.constant 6 : i32
        %dma_wait3A_661 = arith.constant 0 : i32
        %dma_wait3A_662 = arith.constant 0 : i32
        %dma_wait3A_663 = tpu.memref_slice %arg10[%dma_wait3A_660, %dma_wait3A_661, %dma_wait3A_662] : memref<16x8x32xf32, #tpu.memory_space<vmem>> -> memref<1x8x32xf32, #tpu.memory_space<vmem>>
        %dma_wait3A_664 = tpu.memref_squeeze %dma_wait3A_663 : memref<1x8x32xf32, #tpu.memory_space<vmem>> -> memref<8x32xf32, #tpu.memory_space<vmem>>
        %dma_wait3A_665 = arith.constant 0 : i32
        %dma_wait3A_666 = arith.constant 0 : i32
        %dma_wait3A_667 = tpu.memref_slice %arg5[%dma_wait3A_665, %dma_wait3A_666] : memref<1000001x32xf32, #tpu.memory_space<hbm>> -> memref<8x32xf32, #tpu.memory_space<hbm>>
        %dma_wait3A_668 = arith.constant 0 : i32
        %dma_wait3A_669 = arith.constant 0 : i32
        %dma_wait3A_670 = tpu.memref_slice %arg10[%dma_wait3A_660, %dma_wait3A_668, %dma_wait3A_669] : memref<16x8x32xf32, #tpu.memory_space<vmem>> -> memref<1x8x32xf32, #tpu.memory_space<vmem>>
        %dma_wait3A_671 = tpu.memref_squeeze %dma_wait3A_670 : memref<1x8x32xf32, #tpu.memory_space<vmem>> -> memref<8x32xf32, #tpu.memory_space<vmem>>
        %dma_wait3A_672 = arith.constant 0 : i32
        %dma_wait3A_673 = arith.constant 0 : i32
        %dma_wait3A_674 = tpu.memref_slice %arg5[%dma_wait3A_672, %dma_wait3A_673] : memref<1000001x32xf32, #tpu.memory_space<hbm>> -> memref<8x32xf32, #tpu.memory_space<hbm>>
        tpu.wait_dma2 semaphore(%arg11 : memref<!tpu.dma_semaphore, #tpu.memory_space<semaphore_mem>>) src(%dma_wait3A_674 : memref<8x32xf32, #tpu.memory_space<hbm>>) dst(%dma_wait3A_671 : memref<8x32xf32, #tpu.memory_space<vmem>>)
        %dma_wait3A_675 = arith.constant 7 : i32
        %dma_wait3A_676 = arith.constant 0 : i32
        %dma_wait3A_677 = arith.constant 0 : i32
        %dma_wait3A_678 = tpu.memref_slice %arg10[%dma_wait3A_675, %dma_wait3A_676, %dma_wait3A_677] : memref<16x8x32xf32, #tpu.memory_space<vmem>> -> memref<1x8x32xf32, #tpu.memory_space<vmem>>
        %dma_wait3A_679 = tpu.memref_squeeze %dma_wait3A_678 : memref<1x8x32xf32, #tpu.memory_space<vmem>> -> memref<8x32xf32, #tpu.memory_space<vmem>>
        %dma_wait3A_680 = arith.constant 0 : i32
        %dma_wait3A_681 = arith.constant 0 : i32
        %dma_wait3A_682 = tpu.memref_slice %arg5[%dma_wait3A_680, %dma_wait3A_681] : memref<1000001x32xf32, #tpu.memory_space<hbm>> -> memref<8x32xf32, #tpu.memory_space<hbm>>
        %dma_wait3A_683 = arith.constant 0 : i32
        %dma_wait3A_684 = arith.constant 0 : i32
        %dma_wait3A_685 = tpu.memref_slice %arg10[%dma_wait3A_675, %dma_wait3A_683, %dma_wait3A_684] : memref<16x8x32xf32, #tpu.memory_space<vmem>> -> memref<1x8x32xf32, #tpu.memory_space<vmem>>
        %dma_wait3A_686 = tpu.memref_squeeze %dma_wait3A_685 : memref<1x8x32xf32, #tpu.memory_space<vmem>> -> memref<8x32xf32, #tpu.memory_space<vmem>>
        %dma_wait3A_687 = arith.constant 0 : i32
        %dma_wait3A_688 = arith.constant 0 : i32
        %dma_wait3A_689 = tpu.memref_slice %arg5[%dma_wait3A_687, %dma_wait3A_688] : memref<1000001x32xf32, #tpu.memory_space<hbm>> -> memref<8x32xf32, #tpu.memory_space<hbm>>
        tpu.wait_dma2 semaphore(%arg11 : memref<!tpu.dma_semaphore, #tpu.memory_space<semaphore_mem>>) src(%dma_wait3A_689 : memref<8x32xf32, #tpu.memory_space<hbm>>) dst(%dma_wait3A_686 : memref<8x32xf32, #tpu.memory_space<vmem>>)
        %dma_wait3A_690 = arith.constant 8 : i32
        %dma_wait3A_691 = arith.constant 0 : i32
        %dma_wait3A_692 = arith.constant 0 : i32
        %dma_wait3A_693 = tpu.memref_slice %arg10[%dma_wait3A_690, %dma_wait3A_691, %dma_wait3A_692] : memref<16x8x32xf32, #tpu.memory_space<vmem>> -> memref<1x8x32xf32, #tpu.memory_space<vmem>>
        %dma_wait3A_694 = tpu.memref_squeeze %dma_wait3A_693 : memref<1x8x32xf32, #tpu.memory_space<vmem>> -> memref<8x32xf32, #tpu.memory_space<vmem>>
        %dma_wait3A_695 = arith.constant 0 : i32
        %dma_wait3A_696 = arith.constant 0 : i32
        %dma_wait3A_697 = tpu.memref_slice %arg5[%dma_wait3A_695, %dma_wait3A_696] : memref<1000001x32xf32, #tpu.memory_space<hbm>> -> memref<8x32xf32, #tpu.memory_space<hbm>>
        %dma_wait3A_698 = arith.constant 0 : i32
        %dma_wait3A_699 = arith.constant 0 : i32
        %dma_wait3A_700 = tpu.memref_slice %arg10[%dma_wait3A_690, %dma_wait3A_698, %dma_wait3A_699] : memref<16x8x32xf32, #tpu.memory_space<vmem>> -> memref<1x8x32xf32, #tpu.memory_space<vmem>>
        %dma_wait3A_701 = tpu.memref_squeeze %dma_wait3A_700 : memref<1x8x32xf32, #tpu.memory_space<vmem>> -> memref<8x32xf32, #tpu.memory_space<vmem>>
        %dma_wait3A_702 = arith.constant 0 : i32
        %dma_wait3A_703 = arith.constant 0 : i32
        %dma_wait3A_704 = tpu.memref_slice %arg5[%dma_wait3A_702, %dma_wait3A_703] : memref<1000001x32xf32, #tpu.memory_space<hbm>> -> memref<8x32xf32, #tpu.memory_space<hbm>>
        tpu.wait_dma2 semaphore(%arg11 : memref<!tpu.dma_semaphore, #tpu.memory_space<semaphore_mem>>) src(%dma_wait3A_704 : memref<8x32xf32, #tpu.memory_space<hbm>>) dst(%dma_wait3A_701 : memref<8x32xf32, #tpu.memory_space<vmem>>)
        %dma_wait3A_705 = arith.constant 9 : i32
        %dma_wait3A_706 = arith.constant 0 : i32
        %dma_wait3A_707 = arith.constant 0 : i32
        %dma_wait3A_708 = tpu.memref_slice %arg10[%dma_wait3A_705, %dma_wait3A_706, %dma_wait3A_707] : memref<16x8x32xf32, #tpu.memory_space<vmem>> -> memref<1x8x32xf32, #tpu.memory_space<vmem>>
        %dma_wait3A_709 = tpu.memref_squeeze %dma_wait3A_708 : memref<1x8x32xf32, #tpu.memory_space<vmem>> -> memref<8x32xf32, #tpu.memory_space<vmem>>
        %dma_wait3A_710 = arith.constant 0 : i32
        %dma_wait3A_711 = arith.constant 0 : i32
        %dma_wait3A_712 = tpu.memref_slice %arg5[%dma_wait3A_710, %dma_wait3A_711] : memref<1000001x32xf32, #tpu.memory_space<hbm>> -> memref<8x32xf32, #tpu.memory_space<hbm>>
        %dma_wait3A_713 = arith.constant 0 : i32
        %dma_wait3A_714 = arith.constant 0 : i32
        %dma_wait3A_715 = tpu.memref_slice %arg10[%dma_wait3A_705, %dma_wait3A_713, %dma_wait3A_714] : memref<16x8x32xf32, #tpu.memory_space<vmem>> -> memref<1x8x32xf32, #tpu.memory_space<vmem>>
        %dma_wait3A_716 = tpu.memref_squeeze %dma_wait3A_715 : memref<1x8x32xf32, #tpu.memory_space<vmem>> -> memref<8x32xf32, #tpu.memory_space<vmem>>
        %dma_wait3A_717 = arith.constant 0 : i32
        %dma_wait3A_718 = arith.constant 0 : i32
        %dma_wait3A_719 = tpu.memref_slice %arg5[%dma_wait3A_717, %dma_wait3A_718] : memref<1000001x32xf32, #tpu.memory_space<hbm>> -> memref<8x32xf32, #tpu.memory_space<hbm>>
        tpu.wait_dma2 semaphore(%arg11 : memref<!tpu.dma_semaphore, #tpu.memory_space<semaphore_mem>>) src(%dma_wait3A_719 : memref<8x32xf32, #tpu.memory_space<hbm>>) dst(%dma_wait3A_716 : memref<8x32xf32, #tpu.memory_space<vmem>>)
        %dma_wait3A_720 = arith.constant 10 : i32
        %dma_wait3A_721 = arith.constant 0 : i32
        %dma_wait3A_722 = arith.constant 0 : i32
        %dma_wait3A_723 = tpu.memref_slice %arg10[%dma_wait3A_720, %dma_wait3A_721, %dma_wait3A_722] : memref<16x8x32xf32, #tpu.memory_space<vmem>> -> memref<1x8x32xf32, #tpu.memory_space<vmem>>
        %dma_wait3A_724 = tpu.memref_squeeze %dma_wait3A_723 : memref<1x8x32xf32, #tpu.memory_space<vmem>> -> memref<8x32xf32, #tpu.memory_space<vmem>>
        %dma_wait3A_725 = arith.constant 0 : i32
        %dma_wait3A_726 = arith.constant 0 : i32
        %dma_wait3A_727 = tpu.memref_slice %arg5[%dma_wait3A_725, %dma_wait3A_726] : memref<1000001x32xf32, #tpu.memory_space<hbm>> -> memref<8x32xf32, #tpu.memory_space<hbm>>
        %dma_wait3A_728 = arith.constant 0 : i32
        %dma_wait3A_729 = arith.constant 0 : i32
        %dma_wait3A_730 = tpu.memref_slice %arg10[%dma_wait3A_720, %dma_wait3A_728, %dma_wait3A_729] : memref<16x8x32xf32, #tpu.memory_space<vmem>> -> memref<1x8x32xf32, #tpu.memory_space<vmem>>
        %dma_wait3A_731 = tpu.memref_squeeze %dma_wait3A_730 : memref<1x8x32xf32, #tpu.memory_space<vmem>> -> memref<8x32xf32, #tpu.memory_space<vmem>>
        %dma_wait3A_732 = arith.constant 0 : i32
        %dma_wait3A_733 = arith.constant 0 : i32
        %dma_wait3A_734 = tpu.memref_slice %arg5[%dma_wait3A_732, %dma_wait3A_733] : memref<1000001x32xf32, #tpu.memory_space<hbm>> -> memref<8x32xf32, #tpu.memory_space<hbm>>
        tpu.wait_dma2 semaphore(%arg11 : memref<!tpu.dma_semaphore, #tpu.memory_space<semaphore_mem>>) src(%dma_wait3A_734 : memref<8x32xf32, #tpu.memory_space<hbm>>) dst(%dma_wait3A_731 : memref<8x32xf32, #tpu.memory_space<vmem>>)
        %dma_wait3A_735 = arith.constant 11 : i32
        %dma_wait3A_736 = arith.constant 0 : i32
        %dma_wait3A_737 = arith.constant 0 : i32
        %dma_wait3A_738 = tpu.memref_slice %arg10[%dma_wait3A_735, %dma_wait3A_736, %dma_wait3A_737] : memref<16x8x32xf32, #tpu.memory_space<vmem>> -> memref<1x8x32xf32, #tpu.memory_space<vmem>>
        %dma_wait3A_739 = tpu.memref_squeeze %dma_wait3A_738 : memref<1x8x32xf32, #tpu.memory_space<vmem>> -> memref<8x32xf32, #tpu.memory_space<vmem>>
        %dma_wait3A_740 = arith.constant 0 : i32
        %dma_wait3A_741 = arith.constant 0 : i32
        %dma_wait3A_742 = tpu.memref_slice %arg5[%dma_wait3A_740, %dma_wait3A_741] : memref<1000001x32xf32, #tpu.memory_space<hbm>> -> memref<8x32xf32, #tpu.memory_space<hbm>>
        %dma_wait3A_743 = arith.constant 0 : i32
        %dma_wait3A_744 = arith.constant 0 : i32
        %dma_wait3A_745 = tpu.memref_slice %arg10[%dma_wait3A_735, %dma_wait3A_743, %dma_wait3A_744] : memref<16x8x32xf32, #tpu.memory_space<vmem>> -> memref<1x8x32xf32, #tpu.memory_space<vmem>>
        %dma_wait3A_746 = tpu.memref_squeeze %dma_wait3A_745 : memref<1x8x32xf32, #tpu.memory_space<vmem>> -> memref<8x32xf32, #tpu.memory_space<vmem>>
        %dma_wait3A_747 = arith.constant 0 : i32
        %dma_wait3A_748 = arith.constant 0 : i32
        %dma_wait3A_749 = tpu.memref_slice %arg5[%dma_wait3A_747, %dma_wait3A_748] : memref<1000001x32xf32, #tpu.memory_space<hbm>> -> memref<8x32xf32, #tpu.memory_space<hbm>>
        tpu.wait_dma2 semaphore(%arg11 : memref<!tpu.dma_semaphore, #tpu.memory_space<semaphore_mem>>) src(%dma_wait3A_749 : memref<8x32xf32, #tpu.memory_space<hbm>>) dst(%dma_wait3A_746 : memref<8x32xf32, #tpu.memory_space<vmem>>)
        %dma_wait3A_750 = arith.constant 12 : i32
        %dma_wait3A_751 = arith.constant 0 : i32
        %dma_wait3A_752 = arith.constant 0 : i32
        %dma_wait3A_753 = tpu.memref_slice %arg10[%dma_wait3A_750, %dma_wait3A_751, %dma_wait3A_752] : memref<16x8x32xf32, #tpu.memory_space<vmem>> -> memref<1x8x32xf32, #tpu.memory_space<vmem>>
        %dma_wait3A_754 = tpu.memref_squeeze %dma_wait3A_753 : memref<1x8x32xf32, #tpu.memory_space<vmem>> -> memref<8x32xf32, #tpu.memory_space<vmem>>
        %dma_wait3A_755 = arith.constant 0 : i32
        %dma_wait3A_756 = arith.constant 0 : i32
        %dma_wait3A_757 = tpu.memref_slice %arg5[%dma_wait3A_755, %dma_wait3A_756] : memref<1000001x32xf32, #tpu.memory_space<hbm>> -> memref<8x32xf32, #tpu.memory_space<hbm>>
        %dma_wait3A_758 = arith.constant 0 : i32
        %dma_wait3A_759 = arith.constant 0 : i32
        %dma_wait3A_760 = tpu.memref_slice %arg10[%dma_wait3A_750, %dma_wait3A_758, %dma_wait3A_759] : memref<16x8x32xf32, #tpu.memory_space<vmem>> -> memref<1x8x32xf32, #tpu.memory_space<vmem>>
        %dma_wait3A_761 = tpu.memref_squeeze %dma_wait3A_760 : memref<1x8x32xf32, #tpu.memory_space<vmem>> -> memref<8x32xf32, #tpu.memory_space<vmem>>
        %dma_wait3A_762 = arith.constant 0 : i32
        %dma_wait3A_763 = arith.constant 0 : i32
        %dma_wait3A_764 = tpu.memref_slice %arg5[%dma_wait3A_762, %dma_wait3A_763] : memref<1000001x32xf32, #tpu.memory_space<hbm>> -> memref<8x32xf32, #tpu.memory_space<hbm>>
        tpu.wait_dma2 semaphore(%arg11 : memref<!tpu.dma_semaphore, #tpu.memory_space<semaphore_mem>>) src(%dma_wait3A_764 : memref<8x32xf32, #tpu.memory_space<hbm>>) dst(%dma_wait3A_761 : memref<8x32xf32, #tpu.memory_space<vmem>>)
        %dma_wait3A_765 = arith.constant 13 : i32
        %dma_wait3A_766 = arith.constant 0 : i32
        %dma_wait3A_767 = arith.constant 0 : i32
        %dma_wait3A_768 = tpu.memref_slice %arg10[%dma_wait3A_765, %dma_wait3A_766, %dma_wait3A_767] : memref<16x8x32xf32, #tpu.memory_space<vmem>> -> memref<1x8x32xf32, #tpu.memory_space<vmem>>
        %dma_wait3A_769 = tpu.memref_squeeze %dma_wait3A_768 : memref<1x8x32xf32, #tpu.memory_space<vmem>> -> memref<8x32xf32, #tpu.memory_space<vmem>>
        %dma_wait3A_770 = arith.constant 0 : i32
        %dma_wait3A_771 = arith.constant 0 : i32
        %dma_wait3A_772 = tpu.memref_slice %arg5[%dma_wait3A_770, %dma_wait3A_771] : memref<1000001x32xf32, #tpu.memory_space<hbm>> -> memref<8x32xf32, #tpu.memory_space<hbm>>
        %dma_wait3A_773 = arith.constant 0 : i32
        %dma_wait3A_774 = arith.constant 0 : i32
        %dma_wait3A_775 = tpu.memref_slice %arg10[%dma_wait3A_765, %dma_wait3A_773, %dma_wait3A_774] : memref<16x8x32xf32, #tpu.memory_space<vmem>> -> memref<1x8x32xf32, #tpu.memory_space<vmem>>
        %dma_wait3A_776 = tpu.memref_squeeze %dma_wait3A_775 : memref<1x8x32xf32, #tpu.memory_space<vmem>> -> memref<8x32xf32, #tpu.memory_space<vmem>>
        %dma_wait3A_777 = arith.constant 0 : i32
        %dma_wait3A_778 = arith.constant 0 : i32
        %dma_wait3A_779 = tpu.memref_slice %arg5[%dma_wait3A_777, %dma_wait3A_778] : memref<1000001x32xf32, #tpu.memory_space<hbm>> -> memref<8x32xf32, #tpu.memory_space<hbm>>
        tpu.wait_dma2 semaphore(%arg11 : memref<!tpu.dma_semaphore, #tpu.memory_space<semaphore_mem>>) src(%dma_wait3A_779 : memref<8x32xf32, #tpu.memory_space<hbm>>) dst(%dma_wait3A_776 : memref<8x32xf32, #tpu.memory_space<vmem>>)
        %dma_wait3A_780 = arith.constant 14 : i32
        %dma_wait3A_781 = arith.constant 0 : i32
        %dma_wait3A_782 = arith.constant 0 : i32
        %dma_wait3A_783 = tpu.memref_slice %arg10[%dma_wait3A_780, %dma_wait3A_781, %dma_wait3A_782] : memref<16x8x32xf32, #tpu.memory_space<vmem>> -> memref<1x8x32xf32, #tpu.memory_space<vmem>>
        %dma_wait3A_784 = tpu.memref_squeeze %dma_wait3A_783 : memref<1x8x32xf32, #tpu.memory_space<vmem>> -> memref<8x32xf32, #tpu.memory_space<vmem>>
        %dma_wait3A_785 = arith.constant 0 : i32
        %dma_wait3A_786 = arith.constant 0 : i32
        %dma_wait3A_787 = tpu.memref_slice %arg5[%dma_wait3A_785, %dma_wait3A_786] : memref<1000001x32xf32, #tpu.memory_space<hbm>> -> memref<8x32xf32, #tpu.memory_space<hbm>>
        %dma_wait3A_788 = arith.constant 0 : i32
        %dma_wait3A_789 = arith.constant 0 : i32
        %dma_wait3A_790 = tpu.memref_slice %arg10[%dma_wait3A_780, %dma_wait3A_788, %dma_wait3A_789] : memref<16x8x32xf32, #tpu.memory_space<vmem>> -> memref<1x8x32xf32, #tpu.memory_space<vmem>>
        %dma_wait3A_791 = tpu.memref_squeeze %dma_wait3A_790 : memref<1x8x32xf32, #tpu.memory_space<vmem>> -> memref<8x32xf32, #tpu.memory_space<vmem>>
        %dma_wait3A_792 = arith.constant 0 : i32
        %dma_wait3A_793 = arith.constant 0 : i32
        %dma_wait3A_794 = tpu.memref_slice %arg5[%dma_wait3A_792, %dma_wait3A_793] : memref<1000001x32xf32, #tpu.memory_space<hbm>> -> memref<8x32xf32, #tpu.memory_space<hbm>>
        tpu.wait_dma2 semaphore(%arg11 : memref<!tpu.dma_semaphore, #tpu.memory_space<semaphore_mem>>) src(%dma_wait3A_794 : memref<8x32xf32, #tpu.memory_space<hbm>>) dst(%dma_wait3A_791 : memref<8x32xf32, #tpu.memory_space<vmem>>)
        %dma_wait3A_795 = arith.constant 15 : i32
        %dma_wait3A_796 = arith.constant 0 : i32
        %dma_wait3A_797 = arith.constant 0 : i32
        %dma_wait3A_798 = tpu.memref_slice %arg10[%dma_wait3A_795, %dma_wait3A_796, %dma_wait3A_797] : memref<16x8x32xf32, #tpu.memory_space<vmem>> -> memref<1x8x32xf32, #tpu.memory_space<vmem>>
        %dma_wait3A_799 = tpu.memref_squeeze %dma_wait3A_798 : memref<1x8x32xf32, #tpu.memory_space<vmem>> -> memref<8x32xf32, #tpu.memory_space<vmem>>
        %dma_wait3A_800 = arith.constant 0 : i32
        %dma_wait3A_801 = arith.constant 0 : i32
        %dma_wait3A_802 = tpu.memref_slice %arg5[%dma_wait3A_800, %dma_wait3A_801] : memref<1000001x32xf32, #tpu.memory_space<hbm>> -> memref<8x32xf32, #tpu.memory_space<hbm>>
        %dma_wait3A_803 = arith.constant 0 : i32
        %dma_wait3A_804 = arith.constant 0 : i32
        %dma_wait3A_805 = tpu.memref_slice %arg10[%dma_wait3A_795, %dma_wait3A_803, %dma_wait3A_804] : memref<16x8x32xf32, #tpu.memory_space<vmem>> -> memref<1x8x32xf32, #tpu.memory_space<vmem>>
        %dma_wait3A_806 = tpu.memref_squeeze %dma_wait3A_805 : memref<1x8x32xf32, #tpu.memory_space<vmem>> -> memref<8x32xf32, #tpu.memory_space<vmem>>
        %dma_wait3A_807 = arith.constant 0 : i32
        %dma_wait3A_808 = arith.constant 0 : i32
        %dma_wait3A_809 = tpu.memref_slice %arg5[%dma_wait3A_807, %dma_wait3A_808] : memref<1000001x32xf32, #tpu.memory_space<hbm>> -> memref<8x32xf32, #tpu.memory_space<hbm>>
        tpu.wait_dma2 semaphore(%arg11 : memref<!tpu.dma_semaphore, #tpu.memory_space<semaphore_mem>>) src(%dma_wait3A_809 : memref<8x32xf32, #tpu.memory_space<hbm>>) dst(%dma_wait3A_806 : memref<8x32xf32, #tpu.memory_space<vmem>>)
      } else {
      }
      %slice3A = vector.extract_strided_slice %get3A_252 {offsets = [0], sizes = [1], strides = [1]} : vector<16xi32> to vector<1xi32>
      %squeeze3A = vector.extract %slice3A[0] : i32 from vector<1xi32>
      %shift_right_arithmetic3A = arith.constant 3 : i32
      %shift_right_arithmetic3A_255 = arith.shrsi %squeeze3A, %shift_right_arithmetic3A : i32
      %mul3A_256 = arith.constant 8 : i32
      %mul3A_257 = arith.muli %shift_right_arithmetic3A_255, %mul3A_256 : i32
      %multiple_of3A = tpu.assume_multiple %mul3A_257, 8 : i32
      %dma_start3A = arith.constant 0 : i32
      %dma_start3A_258 = arith.constant 0 : i32
      %dma_start3A_259 = arith.constant 0 : i32
      %dma_start3A_260 = tpu.memref_slice %arg10[%dma_start3A, %dma_start3A_258, %dma_start3A_259] : memref<16x8x32xf32, #tpu.memory_space<vmem>> -> memref<1x8x32xf32, #tpu.memory_space<vmem>>
      %dma_start3A_261 = tpu.memref_squeeze %dma_start3A_260 : memref<1x8x32xf32, #tpu.memory_space<vmem>> -> memref<8x32xf32, #tpu.memory_space<vmem>>
      %dma_start3A_262 = arith.constant 0 : i32
      %dma_start3A_263 = tpu.memref_slice %arg5[%multiple_of3A, %dma_start3A_262] : memref<1000001x32xf32, #tpu.memory_space<hbm>> -> memref<8x32xf32, #tpu.memory_space<hbm>>
      %dma_start3A_264 = arith.constant 0 : i32
      %dma_start3A_265 = arith.constant 0 : i32
      %dma_start3A_266 = tpu.memref_slice %arg10[%dma_start3A, %dma_start3A_264, %dma_start3A_265] : memref<16x8x32xf32, #tpu.memory_space<vmem>> -> memref<1x8x32xf32, #tpu.memory_space<vmem>>
      %dma_start3A_267 = tpu.memref_squeeze %dma_start3A_266 : memref<1x8x32xf32, #tpu.memory_space<vmem>> -> memref<8x32xf32, #tpu.memory_space<vmem>>
      %dma_start3A_268 = arith.constant 0 : i32
      %dma_start3A_269 = tpu.memref_slice %arg5[%multiple_of3A, %dma_start3A_268] : memref<1000001x32xf32, #tpu.memory_space<hbm>> -> memref<8x32xf32, #tpu.memory_space<hbm>>
      tpu.enqueue_dma source(%dma_start3A_269 : memref<8x32xf32, #tpu.memory_space<hbm>>) target(%dma_start3A_267 : memref<8x32xf32, #tpu.memory_space<vmem>>) target_semaphore(%arg11 : memref<!tpu.dma_semaphore, #tpu.memory_space<semaphore_mem>>)
      %slice3A_270 = vector.extract_strided_slice %get3A_252 {offsets = [1], sizes = [1], strides = [1]} : vector<16xi32> to vector<1xi32>
      %squeeze3A_271 = vector.extract %slice3A_270[0] : i32 from vector<1xi32>
      %shift_right_arithmetic3A_272 = arith.constant 3 : i32
      %shift_right_arithmetic3A_273 = arith.shrsi %squeeze3A_271, %shift_right_arithmetic3A_272 : i32
      %mul3A_274 = arith.constant 8 : i32
      %mul3A_275 = arith.muli %shift_right_arithmetic3A_273, %mul3A_274 : i32
      %multiple_of3A_276 = tpu.assume_multiple %mul3A_275, 8 : i32
      %dma_start3A_277 = arith.constant 1 : i32
      %dma_start3A_278 = arith.constant 0 : i32
      %dma_start3A_279 = arith.constant 0 : i32
      %dma_start3A_280 = tpu.memref_slice %arg10[%dma_start3A_277, %dma_start3A_278, %dma_start3A_279] : memref<16x8x32xf32, #tpu.memory_space<vmem>> -> memref<1x8x32xf32, #tpu.memory_space<vmem>>
      %dma_start3A_281 = tpu.memref_squeeze %dma_start3A_280 : memref<1x8x32xf32, #tpu.memory_space<vmem>> -> memref<8x32xf32, #tpu.memory_space<vmem>>
      %dma_start3A_282 = arith.constant 0 : i32
      %dma_start3A_283 = tpu.memref_slice %arg5[%multiple_of3A_276, %dma_start3A_282] : memref<1000001x32xf32, #tpu.memory_space<hbm>> -> memref<8x32xf32, #tpu.memory_space<hbm>>
      %dma_start3A_284 = arith.constant 0 : i32
      %dma_start3A_285 = arith.constant 0 : i32
      %dma_start3A_286 = tpu.memref_slice %arg10[%dma_start3A_277, %dma_start3A_284, %dma_start3A_285] : memref<16x8x32xf32, #tpu.memory_space<vmem>> -> memref<1x8x32xf32, #tpu.memory_space<vmem>>
      %dma_start3A_287 = tpu.memref_squeeze %dma_start3A_286 : memref<1x8x32xf32, #tpu.memory_space<vmem>> -> memref<8x32xf32, #tpu.memory_space<vmem>>
      %dma_start3A_288 = arith.constant 0 : i32
      %dma_start3A_289 = tpu.memref_slice %arg5[%multiple_of3A_276, %dma_start3A_288] : memref<1000001x32xf32, #tpu.memory_space<hbm>> -> memref<8x32xf32, #tpu.memory_space<hbm>>
      tpu.enqueue_dma source(%dma_start3A_289 : memref<8x32xf32, #tpu.memory_space<hbm>>) target(%dma_start3A_287 : memref<8x32xf32, #tpu.memory_space<vmem>>) target_semaphore(%arg11 : memref<!tpu.dma_semaphore, #tpu.memory_space<semaphore_mem>>)
      %slice3A_290 = vector.extract_strided_slice %get3A_252 {offsets = [2], sizes = [1], strides = [1]} : vector<16xi32> to vector<1xi32>
      %squeeze3A_291 = vector.extract %slice3A_290[0] : i32 from vector<1xi32>
      %shift_right_arithmetic3A_292 = arith.constant 3 : i32
      %shift_right_arithmetic3A_293 = arith.shrsi %squeeze3A_291, %shift_right_arithmetic3A_292 : i32
      %mul3A_294 = arith.constant 8 : i32
      %mul3A_295 = arith.muli %shift_right_arithmetic3A_293, %mul3A_294 : i32
      %multiple_of3A_296 = tpu.assume_multiple %mul3A_295, 8 : i32
      %dma_start3A_297 = arith.constant 2 : i32
      %dma_start3A_298 = arith.constant 0 : i32
      %dma_start3A_299 = arith.constant 0 : i32
      %dma_start3A_300 = tpu.memref_slice %arg10[%dma_start3A_297, %dma_start3A_298, %dma_start3A_299] : memref<16x8x32xf32, #tpu.memory_space<vmem>> -> memref<1x8x32xf32, #tpu.memory_space<vmem>>
      %dma_start3A_301 = tpu.memref_squeeze %dma_start3A_300 : memref<1x8x32xf32, #tpu.memory_space<vmem>> -> memref<8x32xf32, #tpu.memory_space<vmem>>
      %dma_start3A_302 = arith.constant 0 : i32
      %dma_start3A_303 = tpu.memref_slice %arg5[%multiple_of3A_296, %dma_start3A_302] : memref<1000001x32xf32, #tpu.memory_space<hbm>> -> memref<8x32xf32, #tpu.memory_space<hbm>>
      %dma_start3A_304 = arith.constant 0 : i32
      %dma_start3A_305 = arith.constant 0 : i32
      %dma_start3A_306 = tpu.memref_slice %arg10[%dma_start3A_297, %dma_start3A_304, %dma_start3A_305] : memref<16x8x32xf32, #tpu.memory_space<vmem>> -> memref<1x8x32xf32, #tpu.memory_space<vmem>>
      %dma_start3A_307 = tpu.memref_squeeze %dma_start3A_306 : memref<1x8x32xf32, #tpu.memory_space<vmem>> -> memref<8x32xf32, #tpu.memory_space<vmem>>
      %dma_start3A_308 = arith.constant 0 : i32
      %dma_start3A_309 = tpu.memref_slice %arg5[%multiple_of3A_296, %dma_start3A_308] : memref<1000001x32xf32, #tpu.memory_space<hbm>> -> memref<8x32xf32, #tpu.memory_space<hbm>>
      tpu.enqueue_dma source(%dma_start3A_309 : memref<8x32xf32, #tpu.memory_space<hbm>>) target(%dma_start3A_307 : memref<8x32xf32, #tpu.memory_space<vmem>>) target_semaphore(%arg11 : memref<!tpu.dma_semaphore, #tpu.memory_space<semaphore_mem>>)
      %slice3A_310 = vector.extract_strided_slice %get3A_252 {offsets = [3], sizes = [1], strides = [1]} : vector<16xi32> to vector<1xi32>
      %squeeze3A_311 = vector.extract %slice3A_310[0] : i32 from vector<1xi32>
      %shift_right_arithmetic3A_312 = arith.constant 3 : i32
      %shift_right_arithmetic3A_313 = arith.shrsi %squeeze3A_311, %shift_right_arithmetic3A_312 : i32
      %mul3A_314 = arith.constant 8 : i32
      %mul3A_315 = arith.muli %shift_right_arithmetic3A_313, %mul3A_314 : i32
      %multiple_of3A_316 = tpu.assume_multiple %mul3A_315, 8 : i32
      %dma_start3A_317 = arith.constant 3 : i32
      %dma_start3A_318 = arith.constant 0 : i32
      %dma_start3A_319 = arith.constant 0 : i32
      %dma_start3A_320 = tpu.memref_slice %arg10[%dma_start3A_317, %dma_start3A_318, %dma_start3A_319] : memref<16x8x32xf32, #tpu.memory_space<vmem>> -> memref<1x8x32xf32, #tpu.memory_space<vmem>>
      %dma_start3A_321 = tpu.memref_squeeze %dma_start3A_320 : memref<1x8x32xf32, #tpu.memory_space<vmem>> -> memref<8x32xf32, #tpu.memory_space<vmem>>
      %dma_start3A_322 = arith.constant 0 : i32
      %dma_start3A_323 = tpu.memref_slice %arg5[%multiple_of3A_316, %dma_start3A_322] : memref<1000001x32xf32, #tpu.memory_space<hbm>> -> memref<8x32xf32, #tpu.memory_space<hbm>>
      %dma_start3A_324 = arith.constant 0 : i32
      %dma_start3A_325 = arith.constant 0 : i32
      %dma_start3A_326 = tpu.memref_slice %arg10[%dma_start3A_317, %dma_start3A_324, %dma_start3A_325] : memref<16x8x32xf32, #tpu.memory_space<vmem>> -> memref<1x8x32xf32, #tpu.memory_space<vmem>>
      %dma_start3A_327 = tpu.memref_squeeze %dma_start3A_326 : memref<1x8x32xf32, #tpu.memory_space<vmem>> -> memref<8x32xf32, #tpu.memory_space<vmem>>
      %dma_start3A_328 = arith.constant 0 : i32
      %dma_start3A_329 = tpu.memref_slice %arg5[%multiple_of3A_316, %dma_start3A_328] : memref<1000001x32xf32, #tpu.memory_space<hbm>> -> memref<8x32xf32, #tpu.memory_space<hbm>>
      tpu.enqueue_dma source(%dma_start3A_329 : memref<8x32xf32, #tpu.memory_space<hbm>>) target(%dma_start3A_327 : memref<8x32xf32, #tpu.memory_space<vmem>>) target_semaphore(%arg11 : memref<!tpu.dma_semaphore, #tpu.memory_space<semaphore_mem>>)
      %slice3A_330 = vector.extract_strided_slice %get3A_252 {offsets = [4], sizes = [1], strides = [1]} : vector<16xi32> to vector<1xi32>
      %squeeze3A_331 = vector.extract %slice3A_330[0] : i32 from vector<1xi32>
      %shift_right_arithmetic3A_332 = arith.constant 3 : i32
      %shift_right_arithmetic3A_333 = arith.shrsi %squeeze3A_331, %shift_right_arithmetic3A_332 : i32
      %mul3A_334 = arith.constant 8 : i32
      %mul3A_335 = arith.muli %shift_right_arithmetic3A_333, %mul3A_334 : i32
      %multiple_of3A_336 = tpu.assume_multiple %mul3A_335, 8 : i32
      %dma_start3A_337 = arith.constant 4 : i32
      %dma_start3A_338 = arith.constant 0 : i32
      %dma_start3A_339 = arith.constant 0 : i32
      %dma_start3A_340 = tpu.memref_slice %arg10[%dma_start3A_337, %dma_start3A_338, %dma_start3A_339] : memref<16x8x32xf32, #tpu.memory_space<vmem>> -> memref<1x8x32xf32, #tpu.memory_space<vmem>>
      %dma_start3A_341 = tpu.memref_squeeze %dma_start3A_340 : memref<1x8x32xf32, #tpu.memory_space<vmem>> -> memref<8x32xf32, #tpu.memory_space<vmem>>
      %dma_start3A_342 = arith.constant 0 : i32
      %dma_start3A_343 = tpu.memref_slice %arg5[%multiple_of3A_336, %dma_start3A_342] : memref<1000001x32xf32, #tpu.memory_space<hbm>> -> memref<8x32xf32, #tpu.memory_space<hbm>>
      %dma_start3A_344 = arith.constant 0 : i32
      %dma_start3A_345 = arith.constant 0 : i32
      %dma_start3A_346 = tpu.memref_slice %arg10[%dma_start3A_337, %dma_start3A_344, %dma_start3A_345] : memref<16x8x32xf32, #tpu.memory_space<vmem>> -> memref<1x8x32xf32, #tpu.memory_space<vmem>>
      %dma_start3A_347 = tpu.memref_squeeze %dma_start3A_346 : memref<1x8x32xf32, #tpu.memory_space<vmem>> -> memref<8x32xf32, #tpu.memory_space<vmem>>
      %dma_start3A_348 = arith.constant 0 : i32
      %dma_start3A_349 = tpu.memref_slice %arg5[%multiple_of3A_336, %dma_start3A_348] : memref<1000001x32xf32, #tpu.memory_space<hbm>> -> memref<8x32xf32, #tpu.memory_space<hbm>>
      tpu.enqueue_dma source(%dma_start3A_349 : memref<8x32xf32, #tpu.memory_space<hbm>>) target(%dma_start3A_347 : memref<8x32xf32, #tpu.memory_space<vmem>>) target_semaphore(%arg11 : memref<!tpu.dma_semaphore, #tpu.memory_space<semaphore_mem>>)
      %slice3A_350 = vector.extract_strided_slice %get3A_252 {offsets = [5], sizes = [1], strides = [1]} : vector<16xi32> to vector<1xi32>
      %squeeze3A_351 = vector.extract %slice3A_350[0] : i32 from vector<1xi32>
      %shift_right_arithmetic3A_352 = arith.constant 3 : i32
      %shift_right_arithmetic3A_353 = arith.shrsi %squeeze3A_351, %shift_right_arithmetic3A_352 : i32
      %mul3A_354 = arith.constant 8 : i32
      %mul3A_355 = arith.muli %shift_right_arithmetic3A_353, %mul3A_354 : i32
      %multiple_of3A_356 = tpu.assume_multiple %mul3A_355, 8 : i32
      %dma_start3A_357 = arith.constant 5 : i32
      %dma_start3A_358 = arith.constant 0 : i32
      %dma_start3A_359 = arith.constant 0 : i32
      %dma_start3A_360 = tpu.memref_slice %arg10[%dma_start3A_357, %dma_start3A_358, %dma_start3A_359] : memref<16x8x32xf32, #tpu.memory_space<vmem>> -> memref<1x8x32xf32, #tpu.memory_space<vmem>>
      %dma_start3A_361 = tpu.memref_squeeze %dma_start3A_360 : memref<1x8x32xf32, #tpu.memory_space<vmem>> -> memref<8x32xf32, #tpu.memory_space<vmem>>
      %dma_start3A_362 = arith.constant 0 : i32
      %dma_start3A_363 = tpu.memref_slice %arg5[%multiple_of3A_356, %dma_start3A_362] : memref<1000001x32xf32, #tpu.memory_space<hbm>> -> memref<8x32xf32, #tpu.memory_space<hbm>>
      %dma_start3A_364 = arith.constant 0 : i32
      %dma_start3A_365 = arith.constant 0 : i32
      %dma_start3A_366 = tpu.memref_slice %arg10[%dma_start3A_357, %dma_start3A_364, %dma_start3A_365] : memref<16x8x32xf32, #tpu.memory_space<vmem>> -> memref<1x8x32xf32, #tpu.memory_space<vmem>>
      %dma_start3A_367 = tpu.memref_squeeze %dma_start3A_366 : memref<1x8x32xf32, #tpu.memory_space<vmem>> -> memref<8x32xf32, #tpu.memory_space<vmem>>
      %dma_start3A_368 = arith.constant 0 : i32
      %dma_start3A_369 = tpu.memref_slice %arg5[%multiple_of3A_356, %dma_start3A_368] : memref<1000001x32xf32, #tpu.memory_space<hbm>> -> memref<8x32xf32, #tpu.memory_space<hbm>>
      tpu.enqueue_dma source(%dma_start3A_369 : memref<8x32xf32, #tpu.memory_space<hbm>>) target(%dma_start3A_367 : memref<8x32xf32, #tpu.memory_space<vmem>>) target_semaphore(%arg11 : memref<!tpu.dma_semaphore, #tpu.memory_space<semaphore_mem>>)
      %slice3A_370 = vector.extract_strided_slice %get3A_252 {offsets = [6], sizes = [1], strides = [1]} : vector<16xi32> to vector<1xi32>
      %squeeze3A_371 = vector.extract %slice3A_370[0] : i32 from vector<1xi32>
      %shift_right_arithmetic3A_372 = arith.constant 3 : i32
      %shift_right_arithmetic3A_373 = arith.shrsi %squeeze3A_371, %shift_right_arithmetic3A_372 : i32
      %mul3A_374 = arith.constant 8 : i32
      %mul3A_375 = arith.muli %shift_right_arithmetic3A_373, %mul3A_374 : i32
      %multiple_of3A_376 = tpu.assume_multiple %mul3A_375, 8 : i32
      %dma_start3A_377 = arith.constant 6 : i32
      %dma_start3A_378 = arith.constant 0 : i32
      %dma_start3A_379 = arith.constant 0 : i32
      %dma_start3A_380 = tpu.memref_slice %arg10[%dma_start3A_377, %dma_start3A_378, %dma_start3A_379] : memref<16x8x32xf32, #tpu.memory_space<vmem>> -> memref<1x8x32xf32, #tpu.memory_space<vmem>>
      %dma_start3A_381 = tpu.memref_squeeze %dma_start3A_380 : memref<1x8x32xf32, #tpu.memory_space<vmem>> -> memref<8x32xf32, #tpu.memory_space<vmem>>
      %dma_start3A_382 = arith.constant 0 : i32
      %dma_start3A_383 = tpu.memref_slice %arg5[%multiple_of3A_376, %dma_start3A_382] : memref<1000001x32xf32, #tpu.memory_space<hbm>> -> memref<8x32xf32, #tpu.memory_space<hbm>>
      %dma_start3A_384 = arith.constant 0 : i32
      %dma_start3A_385 = arith.constant 0 : i32
      %dma_start3A_386 = tpu.memref_slice %arg10[%dma_start3A_377, %dma_start3A_384, %dma_start3A_385] : memref<16x8x32xf32, #tpu.memory_space<vmem>> -> memref<1x8x32xf32, #tpu.memory_space<vmem>>
      %dma_start3A_387 = tpu.memref_squeeze %dma_start3A_386 : memref<1x8x32xf32, #tpu.memory_space<vmem>> -> memref<8x32xf32, #tpu.memory_space<vmem>>
      %dma_start3A_388 = arith.constant 0 : i32
      %dma_start3A_389 = tpu.memref_slice %arg5[%multiple_of3A_376, %dma_start3A_388] : memref<1000001x32xf32, #tpu.memory_space<hbm>> -> memref<8x32xf32, #tpu.memory_space<hbm>>
      tpu.enqueue_dma source(%dma_start3A_389 : memref<8x32xf32, #tpu.memory_space<hbm>>) target(%dma_start3A_387 : memref<8x32xf32, #tpu.memory_space<vmem>>) target_semaphore(%arg11 : memref<!tpu.dma_semaphore, #tpu.memory_space<semaphore_mem>>)
      %slice3A_390 = vector.extract_strided_slice %get3A_252 {offsets = [7], sizes = [1], strides = [1]} : vector<16xi32> to vector<1xi32>
      %squeeze3A_391 = vector.extract %slice3A_390[0] : i32 from vector<1xi32>
      %shift_right_arithmetic3A_392 = arith.constant 3 : i32
      %shift_right_arithmetic3A_393 = arith.shrsi %squeeze3A_391, %shift_right_arithmetic3A_392 : i32
      %mul3A_394 = arith.constant 8 : i32
      %mul3A_395 = arith.muli %shift_right_arithmetic3A_393, %mul3A_394 : i32
      %multiple_of3A_396 = tpu.assume_multiple %mul3A_395, 8 : i32
      %dma_start3A_397 = arith.constant 7 : i32
      %dma_start3A_398 = arith.constant 0 : i32
      %dma_start3A_399 = arith.constant 0 : i32
      %dma_start3A_400 = tpu.memref_slice %arg10[%dma_start3A_397, %dma_start3A_398, %dma_start3A_399] : memref<16x8x32xf32, #tpu.memory_space<vmem>> -> memref<1x8x32xf32, #tpu.memory_space<vmem>>
      %dma_start3A_401 = tpu.memref_squeeze %dma_start3A_400 : memref<1x8x32xf32, #tpu.memory_space<vmem>> -> memref<8x32xf32, #tpu.memory_space<vmem>>
      %dma_start3A_402 = arith.constant 0 : i32
      %dma_start3A_403 = tpu.memref_slice %arg5[%multiple_of3A_396, %dma_start3A_402] : memref<1000001x32xf32, #tpu.memory_space<hbm>> -> memref<8x32xf32, #tpu.memory_space<hbm>>
      %dma_start3A_404 = arith.constant 0 : i32
      %dma_start3A_405 = arith.constant 0 : i32
      %dma_start3A_406 = tpu.memref_slice %arg10[%dma_start3A_397, %dma_start3A_404, %dma_start3A_405] : memref<16x8x32xf32, #tpu.memory_space<vmem>> -> memref<1x8x32xf32, #tpu.memory_space<vmem>>
      %dma_start3A_407 = tpu.memref_squeeze %dma_start3A_406 : memref<1x8x32xf32, #tpu.memory_space<vmem>> -> memref<8x32xf32, #tpu.memory_space<vmem>>
      %dma_start3A_408 = arith.constant 0 : i32
      %dma_start3A_409 = tpu.memref_slice %arg5[%multiple_of3A_396, %dma_start3A_408] : memref<1000001x32xf32, #tpu.memory_space<hbm>> -> memref<8x32xf32, #tpu.memory_space<hbm>>
      tpu.enqueue_dma source(%dma_start3A_409 : memref<8x32xf32, #tpu.memory_space<hbm>>) target(%dma_start3A_407 : memref<8x32xf32, #tpu.memory_space<vmem>>) target_semaphore(%arg11 : memref<!tpu.dma_semaphore, #tpu.memory_space<semaphore_mem>>)
      %slice3A_410 = vector.extract_strided_slice %get3A_252 {offsets = [8], sizes = [1], strides = [1]} : vector<16xi32> to vector<1xi32>
      %squeeze3A_411 = vector.extract %slice3A_410[0] : i32 from vector<1xi32>
      %shift_right_arithmetic3A_412 = arith.constant 3 : i32
      %shift_right_arithmetic3A_413 = arith.shrsi %squeeze3A_411, %shift_right_arithmetic3A_412 : i32
      %mul3A_414 = arith.constant 8 : i32
      %mul3A_415 = arith.muli %shift_right_arithmetic3A_413, %mul3A_414 : i32
      %multiple_of3A_416 = tpu.assume_multiple %mul3A_415, 8 : i32
      %dma_start3A_417 = arith.constant 8 : i32
      %dma_start3A_418 = arith.constant 0 : i32
      %dma_start3A_419 = arith.constant 0 : i32
      %dma_start3A_420 = tpu.memref_slice %arg10[%dma_start3A_417, %dma_start3A_418, %dma_start3A_419] : memref<16x8x32xf32, #tpu.memory_space<vmem>> -> memref<1x8x32xf32, #tpu.memory_space<vmem>>
      %dma_start3A_421 = tpu.memref_squeeze %dma_start3A_420 : memref<1x8x32xf32, #tpu.memory_space<vmem>> -> memref<8x32xf32, #tpu.memory_space<vmem>>
      %dma_start3A_422 = arith.constant 0 : i32
      %dma_start3A_423 = tpu.memref_slice %arg5[%multiple_of3A_416, %dma_start3A_422] : memref<1000001x32xf32, #tpu.memory_space<hbm>> -> memref<8x32xf32, #tpu.memory_space<hbm>>
      %dma_start3A_424 = arith.constant 0 : i32
      %dma_start3A_425 = arith.constant 0 : i32
      %dma_start3A_426 = tpu.memref_slice %arg10[%dma_start3A_417, %dma_start3A_424, %dma_start3A_425] : memref<16x8x32xf32, #tpu.memory_space<vmem>> -> memref<1x8x32xf32, #tpu.memory_space<vmem>>
      %dma_start3A_427 = tpu.memref_squeeze %dma_start3A_426 : memref<1x8x32xf32, #tpu.memory_space<vmem>> -> memref<8x32xf32, #tpu.memory_space<vmem>>
      %dma_start3A_428 = arith.constant 0 : i32
      %dma_start3A_429 = tpu.memref_slice %arg5[%multiple_of3A_416, %dma_start3A_428] : memref<1000001x32xf32, #tpu.memory_space<hbm>> -> memref<8x32xf32, #tpu.memory_space<hbm>>
      tpu.enqueue_dma source(%dma_start3A_429 : memref<8x32xf32, #tpu.memory_space<hbm>>) target(%dma_start3A_427 : memref<8x32xf32, #tpu.memory_space<vmem>>) target_semaphore(%arg11 : memref<!tpu.dma_semaphore, #tpu.memory_space<semaphore_mem>>)
      %slice3A_430 = vector.extract_strided_slice %get3A_252 {offsets = [9], sizes = [1], strides = [1]} : vector<16xi32> to vector<1xi32>
      %squeeze3A_431 = vector.extract %slice3A_430[0] : i32 from vector<1xi32>
      %shift_right_arithmetic3A_432 = arith.constant 3 : i32
      %shift_right_arithmetic3A_433 = arith.shrsi %squeeze3A_431, %shift_right_arithmetic3A_432 : i32
      %mul3A_434 = arith.constant 8 : i32
      %mul3A_435 = arith.muli %shift_right_arithmetic3A_433, %mul3A_434 : i32
      %multiple_of3A_436 = tpu.assume_multiple %mul3A_435, 8 : i32
      %dma_start3A_437 = arith.constant 9 : i32
      %dma_start3A_438 = arith.constant 0 : i32
      %dma_start3A_439 = arith.constant 0 : i32
      %dma_start3A_440 = tpu.memref_slice %arg10[%dma_start3A_437, %dma_start3A_438, %dma_start3A_439] : memref<16x8x32xf32, #tpu.memory_space<vmem>> -> memref<1x8x32xf32, #tpu.memory_space<vmem>>
      %dma_start3A_441 = tpu.memref_squeeze %dma_start3A_440 : memref<1x8x32xf32, #tpu.memory_space<vmem>> -> memref<8x32xf32, #tpu.memory_space<vmem>>
      %dma_start3A_442 = arith.constant 0 : i32
      %dma_start3A_443 = tpu.memref_slice %arg5[%multiple_of3A_436, %dma_start3A_442] : memref<1000001x32xf32, #tpu.memory_space<hbm>> -> memref<8x32xf32, #tpu.memory_space<hbm>>
      %dma_start3A_444 = arith.constant 0 : i32
      %dma_start3A_445 = arith.constant 0 : i32
      %dma_start3A_446 = tpu.memref_slice %arg10[%dma_start3A_437, %dma_start3A_444, %dma_start3A_445] : memref<16x8x32xf32, #tpu.memory_space<vmem>> -> memref<1x8x32xf32, #tpu.memory_space<vmem>>
      %dma_start3A_447 = tpu.memref_squeeze %dma_start3A_446 : memref<1x8x32xf32, #tpu.memory_space<vmem>> -> memref<8x32xf32, #tpu.memory_space<vmem>>
      %dma_start3A_448 = arith.constant 0 : i32
      %dma_start3A_449 = tpu.memref_slice %arg5[%multiple_of3A_436, %dma_start3A_448] : memref<1000001x32xf32, #tpu.memory_space<hbm>> -> memref<8x32xf32, #tpu.memory_space<hbm>>
      tpu.enqueue_dma source(%dma_start3A_449 : memref<8x32xf32, #tpu.memory_space<hbm>>) target(%dma_start3A_447 : memref<8x32xf32, #tpu.memory_space<vmem>>) target_semaphore(%arg11 : memref<!tpu.dma_semaphore, #tpu.memory_space<semaphore_mem>>)
      %slice3A_450 = vector.extract_strided_slice %get3A_252 {offsets = [10], sizes = [1], strides = [1]} : vector<16xi32> to vector<1xi32>
      %squeeze3A_451 = vector.extract %slice3A_450[0] : i32 from vector<1xi32>
      %shift_right_arithmetic3A_452 = arith.constant 3 : i32
      %shift_right_arithmetic3A_453 = arith.shrsi %squeeze3A_451, %shift_right_arithmetic3A_452 : i32
      %mul3A_454 = arith.constant 8 : i32
      %mul3A_455 = arith.muli %shift_right_arithmetic3A_453, %mul3A_454 : i32
      %multiple_of3A_456 = tpu.assume_multiple %mul3A_455, 8 : i32
      %dma_start3A_457 = arith.constant 10 : i32
      %dma_start3A_458 = arith.constant 0 : i32
      %dma_start3A_459 = arith.constant 0 : i32
      %dma_start3A_460 = tpu.memref_slice %arg10[%dma_start3A_457, %dma_start3A_458, %dma_start3A_459] : memref<16x8x32xf32, #tpu.memory_space<vmem>> -> memref<1x8x32xf32, #tpu.memory_space<vmem>>
      %dma_start3A_461 = tpu.memref_squeeze %dma_start3A_460 : memref<1x8x32xf32, #tpu.memory_space<vmem>> -> memref<8x32xf32, #tpu.memory_space<vmem>>
      %dma_start3A_462 = arith.constant 0 : i32
      %dma_start3A_463 = tpu.memref_slice %arg5[%multiple_of3A_456, %dma_start3A_462] : memref<1000001x32xf32, #tpu.memory_space<hbm>> -> memref<8x32xf32, #tpu.memory_space<hbm>>
      %dma_start3A_464 = arith.constant 0 : i32
      %dma_start3A_465 = arith.constant 0 : i32
      %dma_start3A_466 = tpu.memref_slice %arg10[%dma_start3A_457, %dma_start3A_464, %dma_start3A_465] : memref<16x8x32xf32, #tpu.memory_space<vmem>> -> memref<1x8x32xf32, #tpu.memory_space<vmem>>
      %dma_start3A_467 = tpu.memref_squeeze %dma_start3A_466 : memref<1x8x32xf32, #tpu.memory_space<vmem>> -> memref<8x32xf32, #tpu.memory_space<vmem>>
      %dma_start3A_468 = arith.constant 0 : i32
      %dma_start3A_469 = tpu.memref_slice %arg5[%multiple_of3A_456, %dma_start3A_468] : memref<1000001x32xf32, #tpu.memory_space<hbm>> -> memref<8x32xf32, #tpu.memory_space<hbm>>
      tpu.enqueue_dma source(%dma_start3A_469 : memref<8x32xf32, #tpu.memory_space<hbm>>) target(%dma_start3A_467 : memref<8x32xf32, #tpu.memory_space<vmem>>) target_semaphore(%arg11 : memref<!tpu.dma_semaphore, #tpu.memory_space<semaphore_mem>>)
      %slice3A_470 = vector.extract_strided_slice %get3A_252 {offsets = [11], sizes = [1], strides = [1]} : vector<16xi32> to vector<1xi32>
      %squeeze3A_471 = vector.extract %slice3A_470[0] : i32 from vector<1xi32>
      %shift_right_arithmetic3A_472 = arith.constant 3 : i32
      %shift_right_arithmetic3A_473 = arith.shrsi %squeeze3A_471, %shift_right_arithmetic3A_472 : i32
      %mul3A_474 = arith.constant 8 : i32
      %mul3A_475 = arith.muli %shift_right_arithmetic3A_473, %mul3A_474 : i32
      %multiple_of3A_476 = tpu.assume_multiple %mul3A_475, 8 : i32
      %dma_start3A_477 = arith.constant 11 : i32
      %dma_start3A_478 = arith.constant 0 : i32
      %dma_start3A_479 = arith.constant 0 : i32
      %dma_start3A_480 = tpu.memref_slice %arg10[%dma_start3A_477, %dma_start3A_478, %dma_start3A_479] : memref<16x8x32xf32, #tpu.memory_space<vmem>> -> memref<1x8x32xf32, #tpu.memory_space<vmem>>
      %dma_start3A_481 = tpu.memref_squeeze %dma_start3A_480 : memref<1x8x32xf32, #tpu.memory_space<vmem>> -> memref<8x32xf32, #tpu.memory_space<vmem>>
      %dma_start3A_482 = arith.constant 0 : i32
      %dma_start3A_483 = tpu.memref_slice %arg5[%multiple_of3A_476, %dma_start3A_482] : memref<1000001x32xf32, #tpu.memory_space<hbm>> -> memref<8x32xf32, #tpu.memory_space<hbm>>
      %dma_start3A_484 = arith.constant 0 : i32
      %dma_start3A_485 = arith.constant 0 : i32
      %dma_start3A_486 = tpu.memref_slice %arg10[%dma_start3A_477, %dma_start3A_484, %dma_start3A_485] : memref<16x8x32xf32, #tpu.memory_space<vmem>> -> memref<1x8x32xf32, #tpu.memory_space<vmem>>
      %dma_start3A_487 = tpu.memref_squeeze %dma_start3A_486 : memref<1x8x32xf32, #tpu.memory_space<vmem>> -> memref<8x32xf32, #tpu.memory_space<vmem>>
      %dma_start3A_488 = arith.constant 0 : i32
      %dma_start3A_489 = tpu.memref_slice %arg5[%multiple_of3A_476, %dma_start3A_488] : memref<1000001x32xf32, #tpu.memory_space<hbm>> -> memref<8x32xf32, #tpu.memory_space<hbm>>
      tpu.enqueue_dma source(%dma_start3A_489 : memref<8x32xf32, #tpu.memory_space<hbm>>) target(%dma_start3A_487 : memref<8x32xf32, #tpu.memory_space<vmem>>) target_semaphore(%arg11 : memref<!tpu.dma_semaphore, #tpu.memory_space<semaphore_mem>>)
      %slice3A_490 = vector.extract_strided_slice %get3A_252 {offsets = [12], sizes = [1], strides = [1]} : vector<16xi32> to vector<1xi32>
      %squeeze3A_491 = vector.extract %slice3A_490[0] : i32 from vector<1xi32>
      %shift_right_arithmetic3A_492 = arith.constant 3 : i32
      %shift_right_arithmetic3A_493 = arith.shrsi %squeeze3A_491, %shift_right_arithmetic3A_492 : i32
      %mul3A_494 = arith.constant 8 : i32
      %mul3A_495 = arith.muli %shift_right_arithmetic3A_493, %mul3A_494 : i32
      %multiple_of3A_496 = tpu.assume_multiple %mul3A_495, 8 : i32
      %dma_start3A_497 = arith.constant 12 : i32
      %dma_start3A_498 = arith.constant 0 : i32
      %dma_start3A_499 = arith.constant 0 : i32
      %dma_start3A_500 = tpu.memref_slice %arg10[%dma_start3A_497, %dma_start3A_498, %dma_start3A_499] : memref<16x8x32xf32, #tpu.memory_space<vmem>> -> memref<1x8x32xf32, #tpu.memory_space<vmem>>
      %dma_start3A_501 = tpu.memref_squeeze %dma_start3A_500 : memref<1x8x32xf32, #tpu.memory_space<vmem>> -> memref<8x32xf32, #tpu.memory_space<vmem>>
      %dma_start3A_502 = arith.constant 0 : i32
      %dma_start3A_503 = tpu.memref_slice %arg5[%multiple_of3A_496, %dma_start3A_502] : memref<1000001x32xf32, #tpu.memory_space<hbm>> -> memref<8x32xf32, #tpu.memory_space<hbm>>
      %dma_start3A_504 = arith.constant 0 : i32
      %dma_start3A_505 = arith.constant 0 : i32
      %dma_start3A_506 = tpu.memref_slice %arg10[%dma_start3A_497, %dma_start3A_504, %dma_start3A_505] : memref<16x8x32xf32, #tpu.memory_space<vmem>> -> memref<1x8x32xf32, #tpu.memory_space<vmem>>
      %dma_start3A_507 = tpu.memref_squeeze %dma_start3A_506 : memref<1x8x32xf32, #tpu.memory_space<vmem>> -> memref<8x32xf32, #tpu.memory_space<vmem>>
      %dma_start3A_508 = arith.constant 0 : i32
      %dma_start3A_509 = tpu.memref_slice %arg5[%multiple_of3A_496, %dma_start3A_508] : memref<1000001x32xf32, #tpu.memory_space<hbm>> -> memref<8x32xf32, #tpu.memory_space<hbm>>
      tpu.enqueue_dma source(%dma_start3A_509 : memref<8x32xf32, #tpu.memory_space<hbm>>) target(%dma_start3A_507 : memref<8x32xf32, #tpu.memory_space<vmem>>) target_semaphore(%arg11 : memref<!tpu.dma_semaphore, #tpu.memory_space<semaphore_mem>>)
      %slice3A_510 = vector.extract_strided_slice %get3A_252 {offsets = [13], sizes = [1], strides = [1]} : vector<16xi32> to vector<1xi32>
      %squeeze3A_511 = vector.extract %slice3A_510[0] : i32 from vector<1xi32>
      %shift_right_arithmetic3A_512 = arith.constant 3 : i32
      %shift_right_arithmetic3A_513 = arith.shrsi %squeeze3A_511, %shift_right_arithmetic3A_512 : i32
      %mul3A_514 = arith.constant 8 : i32
      %mul3A_515 = arith.muli %shift_right_arithmetic3A_513, %mul3A_514 : i32
      %multiple_of3A_516 = tpu.assume_multiple %mul3A_515, 8 : i32
      %dma_start3A_517 = arith.constant 13 : i32
      %dma_start3A_518 = arith.constant 0 : i32
      %dma_start3A_519 = arith.constant 0 : i32
      %dma_start3A_520 = tpu.memref_slice %arg10[%dma_start3A_517, %dma_start3A_518, %dma_start3A_519] : memref<16x8x32xf32, #tpu.memory_space<vmem>> -> memref<1x8x32xf32, #tpu.memory_space<vmem>>
      %dma_start3A_521 = tpu.memref_squeeze %dma_start3A_520 : memref<1x8x32xf32, #tpu.memory_space<vmem>> -> memref<8x32xf32, #tpu.memory_space<vmem>>
      %dma_start3A_522 = arith.constant 0 : i32
      %dma_start3A_523 = tpu.memref_slice %arg5[%multiple_of3A_516, %dma_start3A_522] : memref<1000001x32xf32, #tpu.memory_space<hbm>> -> memref<8x32xf32, #tpu.memory_space<hbm>>
      %dma_start3A_524 = arith.constant 0 : i32
      %dma_start3A_525 = arith.constant 0 : i32
      %dma_start3A_526 = tpu.memref_slice %arg10[%dma_start3A_517, %dma_start3A_524, %dma_start3A_525] : memref<16x8x32xf32, #tpu.memory_space<vmem>> -> memref<1x8x32xf32, #tpu.memory_space<vmem>>
      %dma_start3A_527 = tpu.memref_squeeze %dma_start3A_526 : memref<1x8x32xf32, #tpu.memory_space<vmem>> -> memref<8x32xf32, #tpu.memory_space<vmem>>
      %dma_start3A_528 = arith.constant 0 : i32
      %dma_start3A_529 = tpu.memref_slice %arg5[%multiple_of3A_516, %dma_start3A_528] : memref<1000001x32xf32, #tpu.memory_space<hbm>> -> memref<8x32xf32, #tpu.memory_space<hbm>>
      tpu.enqueue_dma source(%dma_start3A_529 : memref<8x32xf32, #tpu.memory_space<hbm>>) target(%dma_start3A_527 : memref<8x32xf32, #tpu.memory_space<vmem>>) target_semaphore(%arg11 : memref<!tpu.dma_semaphore, #tpu.memory_space<semaphore_mem>>)
      %slice3A_530 = vector.extract_strided_slice %get3A_252 {offsets = [14], sizes = [1], strides = [1]} : vector<16xi32> to vector<1xi32>
      %squeeze3A_531 = vector.extract %slice3A_530[0] : i32 from vector<1xi32>
      %shift_right_arithmetic3A_532 = arith.constant 3 : i32
      %shift_right_arithmetic3A_533 = arith.shrsi %squeeze3A_531, %shift_right_arithmetic3A_532 : i32
      %mul3A_534 = arith.constant 8 : i32
      %mul3A_535 = arith.muli %shift_right_arithmetic3A_533, %mul3A_534 : i32
      %multiple_of3A_536 = tpu.assume_multiple %mul3A_535, 8 : i32
      %dma_start3A_537 = arith.constant 14 : i32
      %dma_start3A_538 = arith.constant 0 : i32
      %dma_start3A_539 = arith.constant 0 : i32
      %dma_start3A_540 = tpu.memref_slice %arg10[%dma_start3A_537, %dma_start3A_538, %dma_start3A_539] : memref<16x8x32xf32, #tpu.memory_space<vmem>> -> memref<1x8x32xf32, #tpu.memory_space<vmem>>
      %dma_start3A_541 = tpu.memref_squeeze %dma_start3A_540 : memref<1x8x32xf32, #tpu.memory_space<vmem>> -> memref<8x32xf32, #tpu.memory_space<vmem>>
      %dma_start3A_542 = arith.constant 0 : i32
      %dma_start3A_543 = tpu.memref_slice %arg5[%multiple_of3A_536, %dma_start3A_542] : memref<1000001x32xf32, #tpu.memory_space<hbm>> -> memref<8x32xf32, #tpu.memory_space<hbm>>
      %dma_start3A_544 = arith.constant 0 : i32
      %dma_start3A_545 = arith.constant 0 : i32
      %dma_start3A_546 = tpu.memref_slice %arg10[%dma_start3A_537, %dma_start3A_544, %dma_start3A_545] : memref<16x8x32xf32, #tpu.memory_space<vmem>> -> memref<1x8x32xf32, #tpu.memory_space<vmem>>
      %dma_start3A_547 = tpu.memref_squeeze %dma_start3A_546 : memref<1x8x32xf32, #tpu.memory_space<vmem>> -> memref<8x32xf32, #tpu.memory_space<vmem>>
      %dma_start3A_548 = arith.constant 0 : i32
      %dma_start3A_549 = tpu.memref_slice %arg5[%multiple_of3A_536, %dma_start3A_548] : memref<1000001x32xf32, #tpu.memory_space<hbm>> -> memref<8x32xf32, #tpu.memory_space<hbm>>
      tpu.enqueue_dma source(%dma_start3A_549 : memref<8x32xf32, #tpu.memory_space<hbm>>) target(%dma_start3A_547 : memref<8x32xf32, #tpu.memory_space<vmem>>) target_semaphore(%arg11 : memref<!tpu.dma_semaphore, #tpu.memory_space<semaphore_mem>>)
      %slice3A_550 = vector.extract_strided_slice %get3A_252 {offsets = [15], sizes = [1], strides = [1]} : vector<16xi32> to vector<1xi32>
      %squeeze3A_551 = vector.extract %slice3A_550[0] : i32 from vector<1xi32>
      %shift_right_arithmetic3A_552 = arith.constant 3 : i32
      %shift_right_arithmetic3A_553 = arith.shrsi %squeeze3A_551, %shift_right_arithmetic3A_552 : i32
      %mul3A_554 = arith.constant 8 : i32
      %mul3A_555 = arith.muli %shift_right_arithmetic3A_553, %mul3A_554 : i32
      %multiple_of3A_556 = tpu.assume_multiple %mul3A_555, 8 : i32
      %dma_start3A_557 = arith.constant 15 : i32
      %dma_start3A_558 = arith.constant 0 : i32
      %dma_start3A_559 = arith.constant 0 : i32
      %dma_start3A_560 = tpu.memref_slice %arg10[%dma_start3A_557, %dma_start3A_558, %dma_start3A_559] : memref<16x8x32xf32, #tpu.memory_space<vmem>> -> memref<1x8x32xf32, #tpu.memory_space<vmem>>
      %dma_start3A_561 = tpu.memref_squeeze %dma_start3A_560 : memref<1x8x32xf32, #tpu.memory_space<vmem>> -> memref<8x32xf32, #tpu.memory_space<vmem>>
      %dma_start3A_562 = arith.constant 0 : i32
      %dma_start3A_563 = tpu.memref_slice %arg5[%multiple_of3A_556, %dma_start3A_562] : memref<1000001x32xf32, #tpu.memory_space<hbm>> -> memref<8x32xf32, #tpu.memory_space<hbm>>
      %dma_start3A_564 = arith.constant 0 : i32
      %dma_start3A_565 = arith.constant 0 : i32
      %dma_start3A_566 = tpu.memref_slice %arg10[%dma_start3A_557, %dma_start3A_564, %dma_start3A_565] : memref<16x8x32xf32, #tpu.memory_space<vmem>> -> memref<1x8x32xf32, #tpu.memory_space<vmem>>
      %dma_start3A_567 = tpu.memref_squeeze %dma_start3A_566 : memref<1x8x32xf32, #tpu.memory_space<vmem>> -> memref<8x32xf32, #tpu.memory_space<vmem>>
      %dma_start3A_568 = arith.constant 0 : i32
      %dma_start3A_569 = tpu.memref_slice %arg5[%multiple_of3A_556, %dma_start3A_568] : memref<1000001x32xf32, #tpu.memory_space<hbm>> -> memref<8x32xf32, #tpu.memory_space<hbm>>
      tpu.enqueue_dma source(%dma_start3A_569 : memref<8x32xf32, #tpu.memory_space<hbm>>) target(%dma_start3A_567 : memref<8x32xf32, #tpu.memory_space<vmem>>) target_semaphore(%arg11 : memref<!tpu.dma_semaphore, #tpu.memory_space<semaphore_mem>>)
    }
    %scan3A_7 = arith.constant 32 : i32
    %dma_wait3A = arith.constant 0 : i32
    %dma_wait3A_8 = arith.constant 0 : i32
    %dma_wait3A_9 = arith.constant 0 : i32
    %dma_wait3A_10 = tpu.memref_slice %arg10[%dma_wait3A, %dma_wait3A_8, %dma_wait3A_9] : memref<16x8x32xf32, #tpu.memory_space<vmem>> -> memref<1x8x32xf32, #tpu.memory_space<vmem>>
    %dma_wait3A_11 = tpu.memref_squeeze %dma_wait3A_10 : memref<1x8x32xf32, #tpu.memory_space<vmem>> -> memref<8x32xf32, #tpu.memory_space<vmem>>
    %dma_wait3A_12 = arith.constant 0 : i32
    %dma_wait3A_13 = arith.constant 0 : i32
    %dma_wait3A_14 = tpu.memref_slice %arg5[%dma_wait3A_12, %dma_wait3A_13] : memref<1000001x32xf32, #tpu.memory_space<hbm>> -> memref<8x32xf32, #tpu.memory_space<hbm>>
    %dma_wait3A_15 = arith.constant 0 : i32
    %dma_wait3A_16 = arith.constant 0 : i32
    %dma_wait3A_17 = tpu.memref_slice %arg10[%dma_wait3A, %dma_wait3A_15, %dma_wait3A_16] : memref<16x8x32xf32, #tpu.memory_space<vmem>> -> memref<1x8x32xf32, #tpu.memory_space<vmem>>
    %dma_wait3A_18 = tpu.memref_squeeze %dma_wait3A_17 : memref<1x8x32xf32, #tpu.memory_space<vmem>> -> memref<8x32xf32, #tpu.memory_space<vmem>>
    %dma_wait3A_19 = arith.constant 0 : i32
    %dma_wait3A_20 = arith.constant 0 : i32
    %dma_wait3A_21 = tpu.memref_slice %arg5[%dma_wait3A_19, %dma_wait3A_20] : memref<1000001x32xf32, #tpu.memory_space<hbm>> -> memref<8x32xf32, #tpu.memory_space<hbm>>
    tpu.wait_dma2 semaphore(%arg11 : memref<!tpu.dma_semaphore, #tpu.memory_space<semaphore_mem>>) src(%dma_wait3A_21 : memref<8x32xf32, #tpu.memory_space<hbm>>) dst(%dma_wait3A_18 : memref<8x32xf32, #tpu.memory_space<vmem>>)
    %dma_wait3A_22 = arith.constant 1 : i32
    %dma_wait3A_23 = arith.constant 0 : i32
    %dma_wait3A_24 = arith.constant 0 : i32
    %dma_wait3A_25 = tpu.memref_slice %arg10[%dma_wait3A_22, %dma_wait3A_23, %dma_wait3A_24] : memref<16x8x32xf32, #tpu.memory_space<vmem>> -> memref<1x8x32xf32, #tpu.memory_space<vmem>>
    %dma_wait3A_26 = tpu.memref_squeeze %dma_wait3A_25 : memref<1x8x32xf32, #tpu.memory_space<vmem>> -> memref<8x32xf32, #tpu.memory_space<vmem>>
    %dma_wait3A_27 = arith.constant 0 : i32
    %dma_wait3A_28 = arith.constant 0 : i32
    %dma_wait3A_29 = tpu.memref_slice %arg5[%dma_wait3A_27, %dma_wait3A_28] : memref<1000001x32xf32, #tpu.memory_space<hbm>> -> memref<8x32xf32, #tpu.memory_space<hbm>>
    %dma_wait3A_30 = arith.constant 0 : i32
    %dma_wait3A_31 = arith.constant 0 : i32
    %dma_wait3A_32 = tpu.memref_slice %arg10[%dma_wait3A_22, %dma_wait3A_30, %dma_wait3A_31] : memref<16x8x32xf32, #tpu.memory_space<vmem>> -> memref<1x8x32xf32, #tpu.memory_space<vmem>>
    %dma_wait3A_33 = tpu.memref_squeeze %dma_wait3A_32 : memref<1x8x32xf32, #tpu.memory_space<vmem>> -> memref<8x32xf32, #tpu.memory_space<vmem>>
    %dma_wait3A_34 = arith.constant 0 : i32
    %dma_wait3A_35 = arith.constant 0 : i32
    %dma_wait3A_36 = tpu.memref_slice %arg5[%dma_wait3A_34, %dma_wait3A_35] : memref<1000001x32xf32, #tpu.memory_space<hbm>> -> memref<8x32xf32, #tpu.memory_space<hbm>>
    tpu.wait_dma2 semaphore(%arg11 : memref<!tpu.dma_semaphore, #tpu.memory_space<semaphore_mem>>) src(%dma_wait3A_36 : memref<8x32xf32, #tpu.memory_space<hbm>>) dst(%dma_wait3A_33 : memref<8x32xf32, #tpu.memory_space<vmem>>)
    %dma_wait3A_37 = arith.constant 2 : i32
    %dma_wait3A_38 = arith.constant 0 : i32
    %dma_wait3A_39 = arith.constant 0 : i32
    %dma_wait3A_40 = tpu.memref_slice %arg10[%dma_wait3A_37, %dma_wait3A_38, %dma_wait3A_39] : memref<16x8x32xf32, #tpu.memory_space<vmem>> -> memref<1x8x32xf32, #tpu.memory_space<vmem>>
    %dma_wait3A_41 = tpu.memref_squeeze %dma_wait3A_40 : memref<1x8x32xf32, #tpu.memory_space<vmem>> -> memref<8x32xf32, #tpu.memory_space<vmem>>
    %dma_wait3A_42 = arith.constant 0 : i32
    %dma_wait3A_43 = arith.constant 0 : i32
    %dma_wait3A_44 = tpu.memref_slice %arg5[%dma_wait3A_42, %dma_wait3A_43] : memref<1000001x32xf32, #tpu.memory_space<hbm>> -> memref<8x32xf32, #tpu.memory_space<hbm>>
    %dma_wait3A_45 = arith.constant 0 : i32
    %dma_wait3A_46 = arith.constant 0 : i32
    %dma_wait3A_47 = tpu.memref_slice %arg10[%dma_wait3A_37, %dma_wait3A_45, %dma_wait3A_46] : memref<16x8x32xf32, #tpu.memory_space<vmem>> -> memref<1x8x32xf32, #tpu.memory_space<vmem>>
    %dma_wait3A_48 = tpu.memref_squeeze %dma_wait3A_47 : memref<1x8x32xf32, #tpu.memory_space<vmem>> -> memref<8x32xf32, #tpu.memory_space<vmem>>
    %dma_wait3A_49 = arith.constant 0 : i32
    %dma_wait3A_50 = arith.constant 0 : i32
    %dma_wait3A_51 = tpu.memref_slice %arg5[%dma_wait3A_49, %dma_wait3A_50] : memref<1000001x32xf32, #tpu.memory_space<hbm>> -> memref<8x32xf32, #tpu.memory_space<hbm>>
    tpu.wait_dma2 semaphore(%arg11 : memref<!tpu.dma_semaphore, #tpu.memory_space<semaphore_mem>>) src(%dma_wait3A_51 : memref<8x32xf32, #tpu.memory_space<hbm>>) dst(%dma_wait3A_48 : memref<8x32xf32, #tpu.memory_space<vmem>>)
    %dma_wait3A_52 = arith.constant 3 : i32
    %dma_wait3A_53 = arith.constant 0 : i32
    %dma_wait3A_54 = arith.constant 0 : i32
    %dma_wait3A_55 = tpu.memref_slice %arg10[%dma_wait3A_52, %dma_wait3A_53, %dma_wait3A_54] : memref<16x8x32xf32, #tpu.memory_space<vmem>> -> memref<1x8x32xf32, #tpu.memory_space<vmem>>
    %dma_wait3A_56 = tpu.memref_squeeze %dma_wait3A_55 : memref<1x8x32xf32, #tpu.memory_space<vmem>> -> memref<8x32xf32, #tpu.memory_space<vmem>>
    %dma_wait3A_57 = arith.constant 0 : i32
    %dma_wait3A_58 = arith.constant 0 : i32
    %dma_wait3A_59 = tpu.memref_slice %arg5[%dma_wait3A_57, %dma_wait3A_58] : memref<1000001x32xf32, #tpu.memory_space<hbm>> -> memref<8x32xf32, #tpu.memory_space<hbm>>
    %dma_wait3A_60 = arith.constant 0 : i32
    %dma_wait3A_61 = arith.constant 0 : i32
    %dma_wait3A_62 = tpu.memref_slice %arg10[%dma_wait3A_52, %dma_wait3A_60, %dma_wait3A_61] : memref<16x8x32xf32, #tpu.memory_space<vmem>> -> memref<1x8x32xf32, #tpu.memory_space<vmem>>
    %dma_wait3A_63 = tpu.memref_squeeze %dma_wait3A_62 : memref<1x8x32xf32, #tpu.memory_space<vmem>> -> memref<8x32xf32, #tpu.memory_space<vmem>>
    %dma_wait3A_64 = arith.constant 0 : i32
    %dma_wait3A_65 = arith.constant 0 : i32
    %dma_wait3A_66 = tpu.memref_slice %arg5[%dma_wait3A_64, %dma_wait3A_65] : memref<1000001x32xf32, #tpu.memory_space<hbm>> -> memref<8x32xf32, #tpu.memory_space<hbm>>
    tpu.wait_dma2 semaphore(%arg11 : memref<!tpu.dma_semaphore, #tpu.memory_space<semaphore_mem>>) src(%dma_wait3A_66 : memref<8x32xf32, #tpu.memory_space<hbm>>) dst(%dma_wait3A_63 : memref<8x32xf32, #tpu.memory_space<vmem>>)
    %dma_wait3A_67 = arith.constant 4 : i32
    %dma_wait3A_68 = arith.constant 0 : i32
    %dma_wait3A_69 = arith.constant 0 : i32
    %dma_wait3A_70 = tpu.memref_slice %arg10[%dma_wait3A_67, %dma_wait3A_68, %dma_wait3A_69] : memref<16x8x32xf32, #tpu.memory_space<vmem>> -> memref<1x8x32xf32, #tpu.memory_space<vmem>>
    %dma_wait3A_71 = tpu.memref_squeeze %dma_wait3A_70 : memref<1x8x32xf32, #tpu.memory_space<vmem>> -> memref<8x32xf32, #tpu.memory_space<vmem>>
    %dma_wait3A_72 = arith.constant 0 : i32
    %dma_wait3A_73 = arith.constant 0 : i32
    %dma_wait3A_74 = tpu.memref_slice %arg5[%dma_wait3A_72, %dma_wait3A_73] : memref<1000001x32xf32, #tpu.memory_space<hbm>> -> memref<8x32xf32, #tpu.memory_space<hbm>>
    %dma_wait3A_75 = arith.constant 0 : i32
    %dma_wait3A_76 = arith.constant 0 : i32
    %dma_wait3A_77 = tpu.memref_slice %arg10[%dma_wait3A_67, %dma_wait3A_75, %dma_wait3A_76] : memref<16x8x32xf32, #tpu.memory_space<vmem>> -> memref<1x8x32xf32, #tpu.memory_space<vmem>>
    %dma_wait3A_78 = tpu.memref_squeeze %dma_wait3A_77 : memref<1x8x32xf32, #tpu.memory_space<vmem>> -> memref<8x32xf32, #tpu.memory_space<vmem>>
    %dma_wait3A_79 = arith.constant 0 : i32
    %dma_wait3A_80 = arith.constant 0 : i32
    %dma_wait3A_81 = tpu.memref_slice %arg5[%dma_wait3A_79, %dma_wait3A_80] : memref<1000001x32xf32, #tpu.memory_space<hbm>> -> memref<8x32xf32, #tpu.memory_space<hbm>>
    tpu.wait_dma2 semaphore(%arg11 : memref<!tpu.dma_semaphore, #tpu.memory_space<semaphore_mem>>) src(%dma_wait3A_81 : memref<8x32xf32, #tpu.memory_space<hbm>>) dst(%dma_wait3A_78 : memref<8x32xf32, #tpu.memory_space<vmem>>)
    %dma_wait3A_82 = arith.constant 5 : i32
    %dma_wait3A_83 = arith.constant 0 : i32
    %dma_wait3A_84 = arith.constant 0 : i32
    %dma_wait3A_85 = tpu.memref_slice %arg10[%dma_wait3A_82, %dma_wait3A_83, %dma_wait3A_84] : memref<16x8x32xf32, #tpu.memory_space<vmem>> -> memref<1x8x32xf32, #tpu.memory_space<vmem>>
    %dma_wait3A_86 = tpu.memref_squeeze %dma_wait3A_85 : memref<1x8x32xf32, #tpu.memory_space<vmem>> -> memref<8x32xf32, #tpu.memory_space<vmem>>
    %dma_wait3A_87 = arith.constant 0 : i32
    %dma_wait3A_88 = arith.constant 0 : i32
    %dma_wait3A_89 = tpu.memref_slice %arg5[%dma_wait3A_87, %dma_wait3A_88] : memref<1000001x32xf32, #tpu.memory_space<hbm>> -> memref<8x32xf32, #tpu.memory_space<hbm>>
    %dma_wait3A_90 = arith.constant 0 : i32
    %dma_wait3A_91 = arith.constant 0 : i32
    %dma_wait3A_92 = tpu.memref_slice %arg10[%dma_wait3A_82, %dma_wait3A_90, %dma_wait3A_91] : memref<16x8x32xf32, #tpu.memory_space<vmem>> -> memref<1x8x32xf32, #tpu.memory_space<vmem>>
    %dma_wait3A_93 = tpu.memref_squeeze %dma_wait3A_92 : memref<1x8x32xf32, #tpu.memory_space<vmem>> -> memref<8x32xf32, #tpu.memory_space<vmem>>
    %dma_wait3A_94 = arith.constant 0 : i32
    %dma_wait3A_95 = arith.constant 0 : i32
    %dma_wait3A_96 = tpu.memref_slice %arg5[%dma_wait3A_94, %dma_wait3A_95] : memref<1000001x32xf32, #tpu.memory_space<hbm>> -> memref<8x32xf32, #tpu.memory_space<hbm>>
    tpu.wait_dma2 semaphore(%arg11 : memref<!tpu.dma_semaphore, #tpu.memory_space<semaphore_mem>>) src(%dma_wait3A_96 : memref<8x32xf32, #tpu.memory_space<hbm>>) dst(%dma_wait3A_93 : memref<8x32xf32, #tpu.memory_space<vmem>>)
    %dma_wait3A_97 = arith.constant 6 : i32
    %dma_wait3A_98 = arith.constant 0 : i32
    %dma_wait3A_99 = arith.constant 0 : i32
    %dma_wait3A_100 = tpu.memref_slice %arg10[%dma_wait3A_97, %dma_wait3A_98, %dma_wait3A_99] : memref<16x8x32xf32, #tpu.memory_space<vmem>> -> memref<1x8x32xf32, #tpu.memory_space<vmem>>
    %dma_wait3A_101 = tpu.memref_squeeze %dma_wait3A_100 : memref<1x8x32xf32, #tpu.memory_space<vmem>> -> memref<8x32xf32, #tpu.memory_space<vmem>>
    %dma_wait3A_102 = arith.constant 0 : i32
    %dma_wait3A_103 = arith.constant 0 : i32
    %dma_wait3A_104 = tpu.memref_slice %arg5[%dma_wait3A_102, %dma_wait3A_103] : memref<1000001x32xf32, #tpu.memory_space<hbm>> -> memref<8x32xf32, #tpu.memory_space<hbm>>
    %dma_wait3A_105 = arith.constant 0 : i32
    %dma_wait3A_106 = arith.constant 0 : i32
    %dma_wait3A_107 = tpu.memref_slice %arg10[%dma_wait3A_97, %dma_wait3A_105, %dma_wait3A_106] : memref<16x8x32xf32, #tpu.memory_space<vmem>> -> memref<1x8x32xf32, #tpu.memory_space<vmem>>
    %dma_wait3A_108 = tpu.memref_squeeze %dma_wait3A_107 : memref<1x8x32xf32, #tpu.memory_space<vmem>> -> memref<8x32xf32, #tpu.memory_space<vmem>>
    %dma_wait3A_109 = arith.constant 0 : i32
    %dma_wait3A_110 = arith.constant 0 : i32
    %dma_wait3A_111 = tpu.memref_slice %arg5[%dma_wait3A_109, %dma_wait3A_110] : memref<1000001x32xf32, #tpu.memory_space<hbm>> -> memref<8x32xf32, #tpu.memory_space<hbm>>
    tpu.wait_dma2 semaphore(%arg11 : memref<!tpu.dma_semaphore, #tpu.memory_space<semaphore_mem>>) src(%dma_wait3A_111 : memref<8x32xf32, #tpu.memory_space<hbm>>) dst(%dma_wait3A_108 : memref<8x32xf32, #tpu.memory_space<vmem>>)
    %dma_wait3A_112 = arith.constant 7 : i32
    %dma_wait3A_113 = arith.constant 0 : i32
    %dma_wait3A_114 = arith.constant 0 : i32
    %dma_wait3A_115 = tpu.memref_slice %arg10[%dma_wait3A_112, %dma_wait3A_113, %dma_wait3A_114] : memref<16x8x32xf32, #tpu.memory_space<vmem>> -> memref<1x8x32xf32, #tpu.memory_space<vmem>>
    %dma_wait3A_116 = tpu.memref_squeeze %dma_wait3A_115 : memref<1x8x32xf32, #tpu.memory_space<vmem>> -> memref<8x32xf32, #tpu.memory_space<vmem>>
    %dma_wait3A_117 = arith.constant 0 : i32
    %dma_wait3A_118 = arith.constant 0 : i32
    %dma_wait3A_119 = tpu.memref_slice %arg5[%dma_wait3A_117, %dma_wait3A_118] : memref<1000001x32xf32, #tpu.memory_space<hbm>> -> memref<8x32xf32, #tpu.memory_space<hbm>>
    %dma_wait3A_120 = arith.constant 0 : i32
    %dma_wait3A_121 = arith.constant 0 : i32
    %dma_wait3A_122 = tpu.memref_slice %arg10[%dma_wait3A_112, %dma_wait3A_120, %dma_wait3A_121] : memref<16x8x32xf32, #tpu.memory_space<vmem>> -> memref<1x8x32xf32, #tpu.memory_space<vmem>>
    %dma_wait3A_123 = tpu.memref_squeeze %dma_wait3A_122 : memref<1x8x32xf32, #tpu.memory_space<vmem>> -> memref<8x32xf32, #tpu.memory_space<vmem>>
    %dma_wait3A_124 = arith.constant 0 : i32
    %dma_wait3A_125 = arith.constant 0 : i32
    %dma_wait3A_126 = tpu.memref_slice %arg5[%dma_wait3A_124, %dma_wait3A_125] : memref<1000001x32xf32, #tpu.memory_space<hbm>> -> memref<8x32xf32, #tpu.memory_space<hbm>>
    tpu.wait_dma2 semaphore(%arg11 : memref<!tpu.dma_semaphore, #tpu.memory_space<semaphore_mem>>) src(%dma_wait3A_126 : memref<8x32xf32, #tpu.memory_space<hbm>>) dst(%dma_wait3A_123 : memref<8x32xf32, #tpu.memory_space<vmem>>)
    %dma_wait3A_127 = arith.constant 8 : i32
    %dma_wait3A_128 = arith.constant 0 : i32
    %dma_wait3A_129 = arith.constant 0 : i32
    %dma_wait3A_130 = tpu.memref_slice %arg10[%dma_wait3A_127, %dma_wait3A_128, %dma_wait3A_129] : memref<16x8x32xf32, #tpu.memory_space<vmem>> -> memref<1x8x32xf32, #tpu.memory_space<vmem>>
    %dma_wait3A_131 = tpu.memref_squeeze %dma_wait3A_130 : memref<1x8x32xf32, #tpu.memory_space<vmem>> -> memref<8x32xf32, #tpu.memory_space<vmem>>
    %dma_wait3A_132 = arith.constant 0 : i32
    %dma_wait3A_133 = arith.constant 0 : i32
    %dma_wait3A_134 = tpu.memref_slice %arg5[%dma_wait3A_132, %dma_wait3A_133] : memref<1000001x32xf32, #tpu.memory_space<hbm>> -> memref<8x32xf32, #tpu.memory_space<hbm>>
    %dma_wait3A_135 = arith.constant 0 : i32
    %dma_wait3A_136 = arith.constant 0 : i32
    %dma_wait3A_137 = tpu.memref_slice %arg10[%dma_wait3A_127, %dma_wait3A_135, %dma_wait3A_136] : memref<16x8x32xf32, #tpu.memory_space<vmem>> -> memref<1x8x32xf32, #tpu.memory_space<vmem>>
    %dma_wait3A_138 = tpu.memref_squeeze %dma_wait3A_137 : memref<1x8x32xf32, #tpu.memory_space<vmem>> -> memref<8x32xf32, #tpu.memory_space<vmem>>
    %dma_wait3A_139 = arith.constant 0 : i32
    %dma_wait3A_140 = arith.constant 0 : i32
    %dma_wait3A_141 = tpu.memref_slice %arg5[%dma_wait3A_139, %dma_wait3A_140] : memref<1000001x32xf32, #tpu.memory_space<hbm>> -> memref<8x32xf32, #tpu.memory_space<hbm>>
    tpu.wait_dma2 semaphore(%arg11 : memref<!tpu.dma_semaphore, #tpu.memory_space<semaphore_mem>>) src(%dma_wait3A_141 : memref<8x32xf32, #tpu.memory_space<hbm>>) dst(%dma_wait3A_138 : memref<8x32xf32, #tpu.memory_space<vmem>>)
    %dma_wait3A_142 = arith.constant 9 : i32
    %dma_wait3A_143 = arith.constant 0 : i32
    %dma_wait3A_144 = arith.constant 0 : i32
    %dma_wait3A_145 = tpu.memref_slice %arg10[%dma_wait3A_142, %dma_wait3A_143, %dma_wait3A_144] : memref<16x8x32xf32, #tpu.memory_space<vmem>> -> memref<1x8x32xf32, #tpu.memory_space<vmem>>
    %dma_wait3A_146 = tpu.memref_squeeze %dma_wait3A_145 : memref<1x8x32xf32, #tpu.memory_space<vmem>> -> memref<8x32xf32, #tpu.memory_space<vmem>>
    %dma_wait3A_147 = arith.constant 0 : i32
    %dma_wait3A_148 = arith.constant 0 : i32
    %dma_wait3A_149 = tpu.memref_slice %arg5[%dma_wait3A_147, %dma_wait3A_148] : memref<1000001x32xf32, #tpu.memory_space<hbm>> -> memref<8x32xf32, #tpu.memory_space<hbm>>
    %dma_wait3A_150 = arith.constant 0 : i32
    %dma_wait3A_151 = arith.constant 0 : i32
    %dma_wait3A_152 = tpu.memref_slice %arg10[%dma_wait3A_142, %dma_wait3A_150, %dma_wait3A_151] : memref<16x8x32xf32, #tpu.memory_space<vmem>> -> memref<1x8x32xf32, #tpu.memory_space<vmem>>
    %dma_wait3A_153 = tpu.memref_squeeze %dma_wait3A_152 : memref<1x8x32xf32, #tpu.memory_space<vmem>> -> memref<8x32xf32, #tpu.memory_space<vmem>>
    %dma_wait3A_154 = arith.constant 0 : i32
    %dma_wait3A_155 = arith.constant 0 : i32
    %dma_wait3A_156 = tpu.memref_slice %arg5[%dma_wait3A_154, %dma_wait3A_155] : memref<1000001x32xf32, #tpu.memory_space<hbm>> -> memref<8x32xf32, #tpu.memory_space<hbm>>
    tpu.wait_dma2 semaphore(%arg11 : memref<!tpu.dma_semaphore, #tpu.memory_space<semaphore_mem>>) src(%dma_wait3A_156 : memref<8x32xf32, #tpu.memory_space<hbm>>) dst(%dma_wait3A_153 : memref<8x32xf32, #tpu.memory_space<vmem>>)
    %dma_wait3A_157 = arith.constant 10 : i32
    %dma_wait3A_158 = arith.constant 0 : i32
    %dma_wait3A_159 = arith.constant 0 : i32
    %dma_wait3A_160 = tpu.memref_slice %arg10[%dma_wait3A_157, %dma_wait3A_158, %dma_wait3A_159] : memref<16x8x32xf32, #tpu.memory_space<vmem>> -> memref<1x8x32xf32, #tpu.memory_space<vmem>>
    %dma_wait3A_161 = tpu.memref_squeeze %dma_wait3A_160 : memref<1x8x32xf32, #tpu.memory_space<vmem>> -> memref<8x32xf32, #tpu.memory_space<vmem>>
    %dma_wait3A_162 = arith.constant 0 : i32
    %dma_wait3A_163 = arith.constant 0 : i32
    %dma_wait3A_164 = tpu.memref_slice %arg5[%dma_wait3A_162, %dma_wait3A_163] : memref<1000001x32xf32, #tpu.memory_space<hbm>> -> memref<8x32xf32, #tpu.memory_space<hbm>>
    %dma_wait3A_165 = arith.constant 0 : i32
    %dma_wait3A_166 = arith.constant 0 : i32
    %dma_wait3A_167 = tpu.memref_slice %arg10[%dma_wait3A_157, %dma_wait3A_165, %dma_wait3A_166] : memref<16x8x32xf32, #tpu.memory_space<vmem>> -> memref<1x8x32xf32, #tpu.memory_space<vmem>>
    %dma_wait3A_168 = tpu.memref_squeeze %dma_wait3A_167 : memref<1x8x32xf32, #tpu.memory_space<vmem>> -> memref<8x32xf32, #tpu.memory_space<vmem>>
    %dma_wait3A_169 = arith.constant 0 : i32
    %dma_wait3A_170 = arith.constant 0 : i32
    %dma_wait3A_171 = tpu.memref_slice %arg5[%dma_wait3A_169, %dma_wait3A_170] : memref<1000001x32xf32, #tpu.memory_space<hbm>> -> memref<8x32xf32, #tpu.memory_space<hbm>>
    tpu.wait_dma2 semaphore(%arg11 : memref<!tpu.dma_semaphore, #tpu.memory_space<semaphore_mem>>) src(%dma_wait3A_171 : memref<8x32xf32, #tpu.memory_space<hbm>>) dst(%dma_wait3A_168 : memref<8x32xf32, #tpu.memory_space<vmem>>)
    %dma_wait3A_172 = arith.constant 11 : i32
    %dma_wait3A_173 = arith.constant 0 : i32
    %dma_wait3A_174 = arith.constant 0 : i32
    %dma_wait3A_175 = tpu.memref_slice %arg10[%dma_wait3A_172, %dma_wait3A_173, %dma_wait3A_174] : memref<16x8x32xf32, #tpu.memory_space<vmem>> -> memref<1x8x32xf32, #tpu.memory_space<vmem>>
    %dma_wait3A_176 = tpu.memref_squeeze %dma_wait3A_175 : memref<1x8x32xf32, #tpu.memory_space<vmem>> -> memref<8x32xf32, #tpu.memory_space<vmem>>
    %dma_wait3A_177 = arith.constant 0 : i32
    %dma_wait3A_178 = arith.constant 0 : i32
    %dma_wait3A_179 = tpu.memref_slice %arg5[%dma_wait3A_177, %dma_wait3A_178] : memref<1000001x32xf32, #tpu.memory_space<hbm>> -> memref<8x32xf32, #tpu.memory_space<hbm>>
    %dma_wait3A_180 = arith.constant 0 : i32
    %dma_wait3A_181 = arith.constant 0 : i32
    %dma_wait3A_182 = tpu.memref_slice %arg10[%dma_wait3A_172, %dma_wait3A_180, %dma_wait3A_181] : memref<16x8x32xf32, #tpu.memory_space<vmem>> -> memref<1x8x32xf32, #tpu.memory_space<vmem>>
    %dma_wait3A_183 = tpu.memref_squeeze %dma_wait3A_182 : memref<1x8x32xf32, #tpu.memory_space<vmem>> -> memref<8x32xf32, #tpu.memory_space<vmem>>
    %dma_wait3A_184 = arith.constant 0 : i32
    %dma_wait3A_185 = arith.constant 0 : i32
    %dma_wait3A_186 = tpu.memref_slice %arg5[%dma_wait3A_184, %dma_wait3A_185] : memref<1000001x32xf32, #tpu.memory_space<hbm>> -> memref<8x32xf32, #tpu.memory_space<hbm>>
    tpu.wait_dma2 semaphore(%arg11 : memref<!tpu.dma_semaphore, #tpu.memory_space<semaphore_mem>>) src(%dma_wait3A_186 : memref<8x32xf32, #tpu.memory_space<hbm>>) dst(%dma_wait3A_183 : memref<8x32xf32, #tpu.memory_space<vmem>>)
    %dma_wait3A_187 = arith.constant 12 : i32
    %dma_wait3A_188 = arith.constant 0 : i32
    %dma_wait3A_189 = arith.constant 0 : i32
    %dma_wait3A_190 = tpu.memref_slice %arg10[%dma_wait3A_187, %dma_wait3A_188, %dma_wait3A_189] : memref<16x8x32xf32, #tpu.memory_space<vmem>> -> memref<1x8x32xf32, #tpu.memory_space<vmem>>
    %dma_wait3A_191 = tpu.memref_squeeze %dma_wait3A_190 : memref<1x8x32xf32, #tpu.memory_space<vmem>> -> memref<8x32xf32, #tpu.memory_space<vmem>>
    %dma_wait3A_192 = arith.constant 0 : i32
    %dma_wait3A_193 = arith.constant 0 : i32
    %dma_wait3A_194 = tpu.memref_slice %arg5[%dma_wait3A_192, %dma_wait3A_193] : memref<1000001x32xf32, #tpu.memory_space<hbm>> -> memref<8x32xf32, #tpu.memory_space<hbm>>
    %dma_wait3A_195 = arith.constant 0 : i32
    %dma_wait3A_196 = arith.constant 0 : i32
    %dma_wait3A_197 = tpu.memref_slice %arg10[%dma_wait3A_187, %dma_wait3A_195, %dma_wait3A_196] : memref<16x8x32xf32, #tpu.memory_space<vmem>> -> memref<1x8x32xf32, #tpu.memory_space<vmem>>
    %dma_wait3A_198 = tpu.memref_squeeze %dma_wait3A_197 : memref<1x8x32xf32, #tpu.memory_space<vmem>> -> memref<8x32xf32, #tpu.memory_space<vmem>>
    %dma_wait3A_199 = arith.constant 0 : i32
    %dma_wait3A_200 = arith.constant 0 : i32
    %dma_wait3A_201 = tpu.memref_slice %arg5[%dma_wait3A_199, %dma_wait3A_200] : memref<1000001x32xf32, #tpu.memory_space<hbm>> -> memref<8x32xf32, #tpu.memory_space<hbm>>
    tpu.wait_dma2 semaphore(%arg11 : memref<!tpu.dma_semaphore, #tpu.memory_space<semaphore_mem>>) src(%dma_wait3A_201 : memref<8x32xf32, #tpu.memory_space<hbm>>) dst(%dma_wait3A_198 : memref<8x32xf32, #tpu.memory_space<vmem>>)
    %dma_wait3A_202 = arith.constant 13 : i32
    %dma_wait3A_203 = arith.constant 0 : i32
    %dma_wait3A_204 = arith.constant 0 : i32
    %dma_wait3A_205 = tpu.memref_slice %arg10[%dma_wait3A_202, %dma_wait3A_203, %dma_wait3A_204] : memref<16x8x32xf32, #tpu.memory_space<vmem>> -> memref<1x8x32xf32, #tpu.memory_space<vmem>>
    %dma_wait3A_206 = tpu.memref_squeeze %dma_wait3A_205 : memref<1x8x32xf32, #tpu.memory_space<vmem>> -> memref<8x32xf32, #tpu.memory_space<vmem>>
    %dma_wait3A_207 = arith.constant 0 : i32
    %dma_wait3A_208 = arith.constant 0 : i32
    %dma_wait3A_209 = tpu.memref_slice %arg5[%dma_wait3A_207, %dma_wait3A_208] : memref<1000001x32xf32, #tpu.memory_space<hbm>> -> memref<8x32xf32, #tpu.memory_space<hbm>>
    %dma_wait3A_210 = arith.constant 0 : i32
    %dma_wait3A_211 = arith.constant 0 : i32
    %dma_wait3A_212 = tpu.memref_slice %arg10[%dma_wait3A_202, %dma_wait3A_210, %dma_wait3A_211] : memref<16x8x32xf32, #tpu.memory_space<vmem>> -> memref<1x8x32xf32, #tpu.memory_space<vmem>>
    %dma_wait3A_213 = tpu.memref_squeeze %dma_wait3A_212 : memref<1x8x32xf32, #tpu.memory_space<vmem>> -> memref<8x32xf32, #tpu.memory_space<vmem>>
    %dma_wait3A_214 = arith.constant 0 : i32
    %dma_wait3A_215 = arith.constant 0 : i32
    %dma_wait3A_216 = tpu.memref_slice %arg5[%dma_wait3A_214, %dma_wait3A_215] : memref<1000001x32xf32, #tpu.memory_space<hbm>> -> memref<8x32xf32, #tpu.memory_space<hbm>>
    tpu.wait_dma2 semaphore(%arg11 : memref<!tpu.dma_semaphore, #tpu.memory_space<semaphore_mem>>) src(%dma_wait3A_216 : memref<8x32xf32, #tpu.memory_space<hbm>>) dst(%dma_wait3A_213 : memref<8x32xf32, #tpu.memory_space<vmem>>)
    %dma_wait3A_217 = arith.constant 14 : i32
    %dma_wait3A_218 = arith.constant 0 : i32
    %dma_wait3A_219 = arith.constant 0 : i32
    %dma_wait3A_220 = tpu.memref_slice %arg10[%dma_wait3A_217, %dma_wait3A_218, %dma_wait3A_219] : memref<16x8x32xf32, #tpu.memory_space<vmem>> -> memref<1x8x32xf32, #tpu.memory_space<vmem>>
    %dma_wait3A_221 = tpu.memref_squeeze %dma_wait3A_220 : memref<1x8x32xf32, #tpu.memory_space<vmem>> -> memref<8x32xf32, #tpu.memory_space<vmem>>
    %dma_wait3A_222 = arith.constant 0 : i32
    %dma_wait3A_223 = arith.constant 0 : i32
    %dma_wait3A_224 = tpu.memref_slice %arg5[%dma_wait3A_222, %dma_wait3A_223] : memref<1000001x32xf32, #tpu.memory_space<hbm>> -> memref<8x32xf32, #tpu.memory_space<hbm>>
    %dma_wait3A_225 = arith.constant 0 : i32
    %dma_wait3A_226 = arith.constant 0 : i32
    %dma_wait3A_227 = tpu.memref_slice %arg10[%dma_wait3A_217, %dma_wait3A_225, %dma_wait3A_226] : memref<16x8x32xf32, #tpu.memory_space<vmem>> -> memref<1x8x32xf32, #tpu.memory_space<vmem>>
    %dma_wait3A_228 = tpu.memref_squeeze %dma_wait3A_227 : memref<1x8x32xf32, #tpu.memory_space<vmem>> -> memref<8x32xf32, #tpu.memory_space<vmem>>
    %dma_wait3A_229 = arith.constant 0 : i32
    %dma_wait3A_230 = arith.constant 0 : i32
    %dma_wait3A_231 = tpu.memref_slice %arg5[%dma_wait3A_229, %dma_wait3A_230] : memref<1000001x32xf32, #tpu.memory_space<hbm>> -> memref<8x32xf32, #tpu.memory_space<hbm>>
    tpu.wait_dma2 semaphore(%arg11 : memref<!tpu.dma_semaphore, #tpu.memory_space<semaphore_mem>>) src(%dma_wait3A_231 : memref<8x32xf32, #tpu.memory_space<hbm>>) dst(%dma_wait3A_228 : memref<8x32xf32, #tpu.memory_space<vmem>>)
    %dma_wait3A_232 = arith.constant 15 : i32
    %dma_wait3A_233 = arith.constant 0 : i32
    %dma_wait3A_234 = arith.constant 0 : i32
    %dma_wait3A_235 = tpu.memref_slice %arg10[%dma_wait3A_232, %dma_wait3A_233, %dma_wait3A_234] : memref<16x8x32xf32, #tpu.memory_space<vmem>> -> memref<1x8x32xf32, #tpu.memory_space<vmem>>
    %dma_wait3A_236 = tpu.memref_squeeze %dma_wait3A_235 : memref<1x8x32xf32, #tpu.memory_space<vmem>> -> memref<8x32xf32, #tpu.memory_space<vmem>>
    %dma_wait3A_237 = arith.constant 0 : i32
    %dma_wait3A_238 = arith.constant 0 : i32
    %dma_wait3A_239 = tpu.memref_slice %arg5[%dma_wait3A_237, %dma_wait3A_238] : memref<1000001x32xf32, #tpu.memory_space<hbm>> -> memref<8x32xf32, #tpu.memory_space<hbm>>
    %dma_wait3A_240 = arith.constant 0 : i32
    %dma_wait3A_241 = arith.constant 0 : i32
    %dma_wait3A_242 = tpu.memref_slice %arg10[%dma_wait3A_232, %dma_wait3A_240, %dma_wait3A_241] : memref<16x8x32xf32, #tpu.memory_space<vmem>> -> memref<1x8x32xf32, #tpu.memory_space<vmem>>
    %dma_wait3A_243 = tpu.memref_squeeze %dma_wait3A_242 : memref<1x8x32xf32, #tpu.memory_space<vmem>> -> memref<8x32xf32, #tpu.memory_space<vmem>>
    %dma_wait3A_244 = arith.constant 0 : i32
    %dma_wait3A_245 = arith.constant 0 : i32
    %dma_wait3A_246 = tpu.memref_slice %arg5[%dma_wait3A_244, %dma_wait3A_245] : memref<1000001x32xf32, #tpu.memory_space<hbm>> -> memref<8x32xf32, #tpu.memory_space<hbm>>
    tpu.wait_dma2 semaphore(%arg11 : memref<!tpu.dma_semaphore, #tpu.memory_space<semaphore_mem>>) src(%dma_wait3A_246 : memref<8x32xf32, #tpu.memory_space<hbm>>) dst(%dma_wait3A_243 : memref<8x32xf32, #tpu.memory_space<vmem>>)
    %run_scoped3A = arith.constant 0 : i32
    %run_scoped3A_247 = arith.constant 0 : i32
    "tpu.region"() ({
      %run_scoped3A_248 = tpu.sem_alloc : memref<!tpu.dma_semaphore, #tpu.memory_space<semaphore_mem>>
      %dma_start3A = arith.constant 0 : i32
      %dma_start3A_249 = arith.constant 0 : i32
      %dma_start3A_250 = tpu.memref_slice %arg10[%run_scoped3A, %dma_start3A, %dma_start3A_249] : memref<16x8x32xf32, #tpu.memory_space<vmem>> -> memref<1x8x32xf32, #tpu.memory_space<vmem>>
      %dma_start3A_251 = tpu.memref_squeeze %dma_start3A_250 : memref<1x8x32xf32, #tpu.memory_space<vmem>> -> memref<8x32xf32, #tpu.memory_space<vmem>>
      %dma_start3A_252 = arith.constant 0 : i32
      %dma_start3A_253 = tpu.memref_slice %arg8[%run_scoped3A_247, %mul3A_2, %dma_start3A_252] : memref<3x16384x32xf32, #tpu.memory_space<hbm>> -> memref<1x8x32xf32, #tpu.memory_space<hbm>>
      %dma_start3A_254 = tpu.memref_squeeze %dma_start3A_253 : memref<1x8x32xf32, #tpu.memory_space<hbm>> -> memref<8x32xf32, #tpu.memory_space<hbm>>
      %dma_start3A_255 = arith.constant 0 : i32
      %dma_start3A_256 = tpu.memref_slice %arg8[%run_scoped3A_247, %mul3A_2, %dma_start3A_255] : memref<3x16384x32xf32, #tpu.memory_space<hbm>> -> memref<1x8x32xf32, #tpu.memory_space<hbm>>
      %dma_start3A_257 = tpu.memref_squeeze %dma_start3A_256 : memref<1x8x32xf32, #tpu.memory_space<hbm>> -> memref<8x32xf32, #tpu.memory_space<hbm>>
      %dma_start3A_258 = arith.constant 0 : i32
      %dma_start3A_259 = arith.constant 0 : i32
      %dma_start3A_260 = tpu.memref_slice %arg10[%run_scoped3A, %dma_start3A_258, %dma_start3A_259] : memref<16x8x32xf32, #tpu.memory_space<vmem>> -> memref<1x8x32xf32, #tpu.memory_space<vmem>>
      %dma_start3A_261 = tpu.memref_squeeze %dma_start3A_260 : memref<1x8x32xf32, #tpu.memory_space<vmem>> -> memref<8x32xf32, #tpu.memory_space<vmem>>
      tpu.enqueue_dma source(%dma_start3A_261 : memref<8x32xf32, #tpu.memory_space<vmem>>) target(%dma_start3A_257 : memref<8x32xf32, #tpu.memory_space<hbm>>) target_semaphore(%run_scoped3A_248 : memref<!tpu.dma_semaphore, #tpu.memory_space<semaphore_mem>>)
      %dma_wait3A_262 = arith.constant 0 : i32
      %dma_wait3A_263 = arith.constant 0 : i32
      %dma_wait3A_264 = tpu.memref_slice %arg10[%run_scoped3A, %dma_wait3A_262, %dma_wait3A_263] : memref<16x8x32xf32, #tpu.memory_space<vmem>> -> memref<1x8x32xf32, #tpu.memory_space<vmem>>
      %dma_wait3A_265 = tpu.memref_squeeze %dma_wait3A_264 : memref<1x8x32xf32, #tpu.memory_space<vmem>> -> memref<8x32xf32, #tpu.memory_space<vmem>>
      %dma_wait3A_266 = arith.constant 0 : i32
      %dma_wait3A_267 = tpu.memref_slice %arg8[%run_scoped3A_247, %mul3A_2, %dma_wait3A_266] : memref<3x16384x32xf32, #tpu.memory_space<hbm>> -> memref<1x8x32xf32, #tpu.memory_space<hbm>>
      %dma_wait3A_268 = tpu.memref_squeeze %dma_wait3A_267 : memref<1x8x32xf32, #tpu.memory_space<hbm>> -> memref<8x32xf32, #tpu.memory_space<hbm>>
      %dma_wait3A_269 = arith.constant 0 : i32
      %dma_wait3A_270 = tpu.memref_slice %arg8[%run_scoped3A_247, %mul3A_2, %dma_wait3A_269] : memref<3x16384x32xf32, #tpu.memory_space<hbm>> -> memref<1x8x32xf32, #tpu.memory_space<hbm>>
      %dma_wait3A_271 = tpu.memref_squeeze %dma_wait3A_270 : memref<1x8x32xf32, #tpu.memory_space<hbm>> -> memref<8x32xf32, #tpu.memory_space<hbm>>
      %dma_wait3A_272 = arith.constant 0 : i32
      %dma_wait3A_273 = arith.constant 0 : i32
      %dma_wait3A_274 = tpu.memref_slice %arg10[%run_scoped3A, %dma_wait3A_272, %dma_wait3A_273] : memref<16x8x32xf32, #tpu.memory_space<vmem>> -> memref<1x8x32xf32, #tpu.memory_space<vmem>>
      %dma_wait3A_275 = tpu.memref_squeeze %dma_wait3A_274 : memref<1x8x32xf32, #tpu.memory_space<vmem>> -> memref<8x32xf32, #tpu.memory_space<vmem>>
      tpu.wait_dma2 semaphore(%run_scoped3A_248 : memref<!tpu.dma_semaphore, #tpu.memory_space<semaphore_mem>>) src(%dma_wait3A_275 : memref<8x32xf32, #tpu.memory_space<vmem>>) dst(%dma_wait3A_271 : memref<8x32xf32, #tpu.memory_space<hbm>>)
      tpu.yield
    }) : () -> ()
    return
  }
}

</mosaic_0001>

<sc_bundles>
// kernel: kernel.3.cloned.1.call-start
scs
__scs_entry_jumppad:
0x0: {  	(pc) =	sbr.rel $0x88, $3  }
0x1: {  	(tag) =	ssettag $0x0;
	lr =	simm.s32 $0x1  }
0x2: {  	[smem:$0x3F9B] =	sst lr;
	_ =	strace $0xD0000000  }
0x3: {  	_ = 	snop  }
0x4: {  	_ = 	snop  }
0x5: {  	_ = 	snop  }
0x6: {  	_ = 	snop  }
0x7: {  	_ = 	snop  }
__scs_overlays_trampoline_lowered:
0x8: {  	[smem:$0x3FAA] =	sst s0  }
0x9: {  	[smem:$0x3FAB] =	sst s1  }
0xa: {  	[smem:$0x3FAC] =	sst s2  }
0xb: {  	[smem:$0x3FAD] =	sst s3  }
0xc: {  	[smem:$0x3FAE] =	sst s4  }
0xd: {  	[smem:$0x3FAF] =	sst s5  }
0xe: {  	[smem:$0x3FB0] =	sst s6  }
0xf: {  	[smem:$0x3FB1] =	sst s7  }
0x10: {  	[smem:$0x3FB2] =	sst s8  }
0x11: {  	[smem:$0x3FB3] =	sst s9;
	s0 =	simm.s32 @!p0 $0x0  }
0x12: {  	s1 =	sld [smem:$0x3F99];
	s0 =	simm.s32 @p0 $0x1  }
0x13: {  	[smem:$0x3FB4] =	sst s0;
	s0 =	simm.s32 @!p1 $0x0  }
0x14: {  	s2 =	sld [smem:$0x3F98];
	s0 =	simm.s32 @p1 $0x1  }
0x15: {  	[smem:$0x3FB5] =	sst s0;
	s0 =	simm.s32 @!p2 $0x0  }
0x16: {  	s3 =	sld [smem:$0x3FDB];
	s0 =	simm.s32 @p2 $0x1  }
0x17: {  	s4 =	simm.s32 $0x1BF5;
	[smem:$0x3FB7] =	sst s0  }
0x18: {  	s0 =	sld [smem:$0x3F9A];
	_ =	swait.ge [sflag:s4], $0x0  }
0x19: {  	s7 =	sld [smem:$0x3F9B]  }
0x1a: {  	s8 =	sadd.s32 $0xFFFFE003, lr  }
0x1b: {  	s9 =	sadd.s32 $0xFFFFFEF7, lr;
	s5 =	simm.s32 $0xFFFFFFFF;
	p2 =	slt.u32 s8, $0xFFFFF086  }
0x1c: {  	p1 =	slt.u32 s9, $0xF7A;
	s5 =	simm.s32 @!p2 $0x0  }
0x1d: {  	s5 =	simm.s32 @p1 $0x1;
	p0 =	seq.s32 s7, s2  }
0x1e: {  	s7 =	smul.u32 @!p0 $0xF7A, s2;
	p2 =	seq.s32 @!p0 s5, $0x0  }
0x1f: {  	s9 =	smul.u32 $0xF7A, s1;
	s8 =	simm.s32 @!p0 $0x1BF5;
	p2 =	por !p2, p0  }
0x20: {  	[sflag:s8] =	ssyncset.s32 @!p0 $0xFFFFF086;
	s6 =	sadd.s32 @!p0 s3, s7;
	s7 =	simm.s32 @!p0 $0x108  }
0x21: {  	s3 =	sadd.s32 s3, s9;
	s6 =	sadd.s32 @!p0 $0x88, s6;
	s7 =	simm.s32 @p2 $0x1082  }
0x22: {  	[simem:s7], [sflag:s8] =	dma.local @!p0 [hbm:s6], $0xF7A  }
0x23: {  	s9 =	sor.u32 $0xD0000000, s2;
	s6 =	simm.s32 $0x108;
	_ =	swait.ge @!p0 [sflag:s8], $0x0  }
0x24: {  	s3 =	sadd.s32 $0x88, s3;
	s6 =	simm.s32 @!p1 $0x1082;
	[sflag:s4] =	ssyncset.s32 $0xFFFFF086  }
0x25: {  	[simem:s6], [sflag:s4] =	dma.local [hbm:s3], $0xF7A  }
0x26: {  	[smem:$0x3F9B] =	sst s1;
	(tag) =	ssettag s2;
	_ =	strace s9  }
0x27: {  	s1 =	sld [smem:$0x3FAB]  }
0x28: {  	s2 =	sld [smem:$0x3FAC]  }
0x29: {  	s4 =	sld [smem:$0x3FAE]  }
0x2a: {  	p0 =	seq.s32 s5, $0x0;
	s5 =	sld [smem:$0x3FAF]  }
0x2b: {  	s6 =	sld [smem:$0x3FB0]  }
0x2c: {  	s7 =	sld [smem:$0x3FB1]  }
0x2d: {  	s3 =	simm.s32 $0x108;
	s8 =	sld [smem:$0x3FB2]  }
0x2e: {  	s3 =	simm.s32 @!p0 $0x1082;
	s9 =	sld [smem:$0x3FB3]  }
0x2f: {  	lr =	sadd.s32 s0, s3;
	s0 =	sld [smem:$0x3FAA]  }
0x30: {  	s3 =	sld [smem:$0x3FAD]  }
0x31: {  	[smem:$0x3FB6] =	sst s10  }
0x32: {  	s10 =	sld [smem:$0x3FB4];
	_ =	sdelay $0x3  }
0x33: {  	p0 =	seq.s32 s10, $0x1;
	s10 =	sld [smem:$0x3FB6];
	_ =	sdelay $0x3  }
0x34: {  	[smem:$0x3FB6] =	sst s10  }
0x35: {  	s10 =	sld [smem:$0x3FB5];
	_ =	sdelay $0x3  }
0x36: {  	p1 =	seq.s32 s10, $0x1;
	s10 =	sld [smem:$0x3FB6];
	_ =	sdelay $0x3  }
0x37: {  	[smem:$0x3FB6] =	sst s10  }
0x38: {  	s10 =	sld [smem:$0x3FB7]  }
0x39: {  	_ = 	snop;
	(pc) =	sbr.ind lr, $3  }
0x3a: {  	_ = 	snop  }
0x3b: {  	_ = 	snop  }
0x3c: {  	p2 =	seq.s32 s10, $0x1;
	s10 =	sld [smem:$0x3FB6]  }
0x3d: {  	_ =	shalt  }
0x3e: {  	_ =	shalt  }
0x3f: {  	_ =	shalt  }
0x40: {  	_ =	shalt  }
0x41: {  	_ =	shalt  }
0x42: {  	_ =	shalt  }
0x43: {  	_ =	shalt  }
0x44: {  	_ =	shalt  }
0x45: {  	_ =	shalt  }
0x46: {  	_ =	shalt  }
0x47: {  	_ =	shalt  }
0x48: {  	_ =	shalt  }
0x49: {  	_ =	shalt  }
0x4a: {  	_ =	shalt  }
0x4b: {  	_ =	shalt  }
0x4c: {  	_ =	shalt  }
0x4d: {  	_ =	shalt  }
0x4e: {  	_ =	shalt  }
0x4f: {  	_ =	shalt  }
0x50: {  	_ =	shalt  }
0x51: {  	_ =	shalt  }
0x52: {  	_ =	shalt  }
0x53: {  	_ =	shalt  }
0x54: {  	_ =	shalt  }
0x55: {  	_ =	shalt  }
0x56: {  	_ =	shalt  }
0x57: {  	_ =	shalt  }
0x58: {  	_ =	shalt  }
0x59: {  	_ =	shalt  }
0x5a: {  	_ =	shalt  }
0x5b: {  	_ =	shalt  }
0x5c: {  	_ =	shalt  }
0x5d: {  	_ =	shalt  }
0x5e: {  	_ =	shalt  }
0x5f: {  	_ =	shalt  }
0x60: {  	_ =	shalt  }
0x61: {  	_ =	shalt  }
0x62: {  	_ =	shalt  }
0x63: {  	_ =	shalt  }
0x64: {  	_ =	shalt  }
0x65: {  	_ =	shalt  }
0x66: {  	_ =	shalt  }
0x67: {  	_ =	shalt  }
0x68: {  	_ =	shalt  }
0x69: {  	_ =	shalt  }
0x6a: {  	_ =	shalt  }
0x6b: {  	_ =	shalt  }
0x6c: {  	_ =	shalt  }
0x6d: {  	_ =	shalt  }
0x6e: {  	_ =	shalt  }
0x6f: {  	_ =	shalt  }
0x70: {  	_ =	shalt  }
0x71: {  	_ =	shalt  }
0x72: {  	_ =	shalt  }
0x73: {  	_ =	shalt  }
0x74: {  	_ =	shalt  }
0x75: {  	_ =	shalt  }
0x76: {  	_ =	shalt  }
0x77: {  	_ =	shalt  }
0x78: {  	_ =	shalt  }
0x79: {  	_ =	shalt  }
0x7a: {  	_ =	shalt  }
0x7b: {  	_ =	shalt  }
0x7c: {  	_ =	shalt  }
0x7d: {  	_ =	shalt  }
0x7e: {  	_ =	shalt  }
0x7f: {  	_ =	shalt  }
0x80: {  	_ =	shalt  }
0x81: {  	_ =	shalt  }
0x82: {  	_ =	shalt  }
0x83: {  	_ =	shalt  }
0x84: {  	_ =	shalt  }
0x85: {  	_ =	shalt  }
0x86: {  	_ =	shalt  }
0x87: {  	_ =	shalt  }
.Lfunc_end0:
.L_simem_size_0:
called_computation_lowered:
.L_overlay_start_0:
0x88: {  	s2 =	sld [smem:$0x3FD9]  }
0x89: {  	s3 =	sld [smem:$0x3FFE];
	_ =	sdelay $0x1  }
0x8a: {  	s1 =	srdreg.scid  }
0x8b: {  	s0 =	sand.u32 $0x1, s1  }
0x8c: {  	s16 =	sshll.u32 s0, $0xA;
	s2 =	sadd.s32 s3, s2  }
0x8d: {  	s2 =	sadd.s32 s2, s16  }
0x8e: {  	[smem:$0x3FC2] =	sst s2  }
0x8f: {  	_ = 	snop  }
0x90: {  	(tm) =	ssettm $0x1  }
0x91: {  	s17 =	sld [smem:$0x3FFB];
	_ =	sdelay $0x3  }
0x92: {  	_ =	strace s17  }
0x93: {  	s2 =	sld [smem:$0x3FFC];
	_ =	sdelay $0x3  }
0x94: {  	_ =	strace s2  }
0x95: {  	s2 =	sld [smem:$0x3FFD];
	_ =	sdelay $0x3  }
0x96: {  	_ =	strace s2  }
0x97: {  	_ =	strace $0x8FFFFFFF  }
0x98: {  	s18 =	sld [smem:$0x3FDB];
	_ =	sdelay $0x1  }
0x99: {  	s19 =	simm.s32 $_scs_section_size  }
0x9a: {  	s4 =	simm.s32 $_size__tile_overlayer_lowered;
	s5 =	simm.s32 $_tile_overlayer_lowered  }
0x9b: {  	s22 =	simm.s32 $0x1BFF;
	s21 =	sshll.u32 s5, $0x1;
	s2 =	sadd.s32 s19, s18  }
0x9c: {  	s6 =	simm.s32 $0x0;
	s20 =	sshll.u32 s4, $0x1;
	s4 =	sadd.s32 s21, s2  }
0x9d: {  	[timem:s6], [sflag:s22] =	dma.local [hbm:s4], s20  }
0x9e: {  	_ =	swait.ge [sflag:s22], s20  }
0x9f: {  	s3 =	ssub.s32 $0x0, s20;
	[sflag:s22] =	ssyncset.done $0x0  }
0xa0: {  	[sflag:s22] =	ssyncadd.s32 s3;
	_ =	sdelay $0x1  }
0xa1: {  	s23 =	simm.s32 $0x1B8B  }
0xa2: {  	_ =	swait.ge [sflag:s23], $0x1  }
0xa3: {  	[sflag:s23] =	ssyncset.done $0x0  }
0xa4: {  	s25 =	simm.s32 $0x1B8E;
	s24 =	sld [smem:$0x3FFE];
	[sflag:s23] =	ssyncadd.s32 $0xFFFFFFFF  }
0xa5: {  	s26 =	simm.s32 $execute0_lowered;
	[smem:$0x3FD2] =	sst s25  }
0xa6: {  	s4 =	sshll.u32 s26, $0x1;
	_ =	strace $0x80000046;
	[dreg:$0x1] =	wrdreg $0xFFFFFFFF  }
0xa7: {  	s28 =	simm.s32 $_size_execute0_lowered;
	s2 =	sadd.s32 s2, s4;
	[dreg:$0x0] =	wrdreg $0x0  }
0xa8: {  	s4 =	sshll.u32 s28, $0x1;
	[dreg:$0x2] =	wrdreg s2  }
0xa9: {  	[dreg:$0x3] =	wrdreg s4  }
0xaa: {  	[dreg:$0x4] =	wrdreg $0xC0  }
0xab: {  	_ =	task [dreg:s6], $0x5FFFF  }
0xac: {  	[dreg:$0x1] =	wrdreg $0xFFFFFFFF  }
0xad: {  	[dreg:$0x0] =	wrdreg $0x60  }
0xae: {  	[dreg:$0x2] =	wrdreg s24  }
0xaf: {  	[dreg:$0x3] =	wrdreg $0x9  }
0xb0: {  	_ =	task.clear_ibuf [dreg:s6], $0x4FFFF;
	_ =	strace $0x90000046  }
0xb1: {  	s29 =	simm.s32 $0x9;
	_ =	strace $0x80000048  }
0xb2: {  	_ =	swait.ge [sflag:s29], $0x1  }
0xb3: {  	[sflag:s29] =	ssyncadd.s32 $0xFFFFFFFF  }
0xb4: {  	_ =	strace $0x90000048  }
0xb5: {  	_ =	sfence  }
0xb6: {  	s30 =	sld [smem:$0x0];
	_ =	sdelay $0x2  }
0xb7: {  	s31 =	sshll.u32 s1, $0xD;
	s1 =	sshrl.u32 s1, $0x2  }
0xb8: {  	s3 =	sand.u32 $0x4000, s31;
	s1 =	sadd.s32 s1, s30  }
0xb9: {  	s0 =	sor.u32 s3, s0;
	s1 =	sshll.u32 s1, $0x11  }
0xba: {  	s0 =	sor.u32 s1, s0  }
0xbb: {  	s0 =	sadd.s32 $0x8F2B, s0  }
0xbc: {  	[sflag:s0] =	ssyncadd.remote.s32 $0x1  }
0xbd: {  	_ =	sfence.sel $0xFFFF  }
0xbe: {  	[dreg:$0x0] =	wrdreg $0xFFFFFFFF;
	(pc) =	sbr.abs _section_cstart, $3  }
0xbf: {  	[dreg:$0x1] =	wrdreg $0xFFFFFFFF  }
0xc0: {  	_ =	task.clear_ibuf [dreg:s6], $0x2FFFF;
	_ =	strace $0x9FFFFFFF  }
0xc1: {  	(tm) =	ssettm $0x7FFFFFFF  }
tec
execute0_lowered:
.L_overlay_start_1:
0x0: {  	(tag) =	ssettag $0x1  }
0x1: {  	s4 =	rddreg [dreg:$0x0]  }
0x2: {  	s0 =	rddreg [dreg:$0x1];
	s2 =	simm.s32 $0x0  }
0x3: {  	s7 =	simm.s32 $0x600;
	[smem:$0x7FF] =	sst s2  }
0x4: {  	s17 =	simm.s32 $0xA00;
	_ =	strace $0x80000047;
	[dreg:$0x2] =	wrdreg s7  }
0x5: {  	s19 =	simm.s32 $0xE00;
	[dreg:$0x3] =	wrdreg s17  }
0x6: {  	s8 =	simm.s32 $0x1200;
	[dreg:$0x4] =	wrdreg s19  }
0x7: {  	s20 =	simm.s32 $0x1600;
	[dreg:$0x5] =	wrdreg s8  }
0x8: {  	s21 =	simm.s32 $0x1A00;
	[dreg:$0x6] =	wrdreg s20  }
0x9: {  	s22 =	simm.s32 $0x1E00;
	[dreg:$0x7] =	wrdreg s21  }
0xa: {  	s23 =	simm.s32 $0x2200;
	[dreg:$0x8] =	wrdreg s22  }
0xb: {  	s3 =	srdreg.scid;
	s25 =	simm.s32 $0x2600;
	[dreg:$0x9] =	wrdreg s23  }
0xc: {  	s1 =	stileid.u32;
	s26 =	simm.s32 $0x2A00;
	[dreg:$0xa] =	wrdreg s25  }
0xd: {  	s28 =	simm.s32 $0x2E00;
	s29 =	simm.s32 $0x3200;
	[dreg:$0xb] =	wrdreg s26  }
0xe: {  	s30 =	simm.s32 $0x3600;
	s9 =	simm.s32 $0x3A00;
	[dreg:$0xc] =	wrdreg s28  }
0xf: {  	s31 =	simm.s32 $0x3E00;
	s10 =	simm.s32 $0x0;
	[dreg:$0xd] =	wrdreg s29  }
0x10: {  	s5 =	sand.u32 $0x1, s3;
	s16 =	sshll.u32 s1, $0xA;
	[dreg:$0xe] =	wrdreg s30  }
0x11: {  	s3 =	sadd.s32 $0xF43200, s4;
	s6 =	sshll.u32 s5, $0x9;
	[dreg:$0xf] =	wrdreg s9  }
0x12: {  	s5 =	ssub.s32 $0x2, s5;
	[dreg:$0x10] =	wrdreg s31;
	s6 =	sor.u32 s6, s16  }
0x13: {  	s9 =	simm.s32 $0x1;
	s18 =	sshrl.u32 s6, $0x3;
	s6 =	sshll.u32 s6, $0x4  }
0x14: {  	s24 =	sshrl.u32 s5, $0x1;
	s7 =	sadd.s32 s18, s4;
	s6 =	sadd.s32 s6, s4  }
0x15: {  	s8 =	ssub.s32 s5, s24;
	s4 =	sadd.s32 $0x1E86000, s7;
	s5 =	sadd.s32 $0x1E86800, s6  }
0x16: {  	s6 =	smax.u32 s8, $0x1;
	s7 =	simm.s32 $0x2;
	s8 =	simm.s32 $0x200  }
.LBB2_1:
0x17: {  	[tilespmem:s2], [sflag:$0x2] =	stream.linear.gather [hbm4b:s4+s2], $0x200, $0x38;
	[tilespmem:$0x4200] =	vst v63  }
0x18: {  	_ =	swait.ge [sflag:s7], $0x200  }
0x19: {  	p0 =	por $0x1, $0x1;
	[sflag:s7] =	ssyncset.done $0x0  }
0x1a: {  	s11 =	simm.s32 $0x0;
	p0 =	por p0, p0;
	[sflag:s7] =	ssyncadd.s32 $0xFFFFFE00  }
0x1b: {  	v0 =	vld [tilespmem:s11+$0x0];
	s11 =	simm.s32 @!p0 $0x1  }
0x1c: {  	_ =	swait.ge @!p0 [sflag:s11], $0x400  }
0x1d: {  	[sflag:s11] =	ssyncset.done @!p0 $0x0  }
0x1e: {  	[sflag:s11] =	ssyncadd.s32 @!p0 $0xFFFFFC00  }
0x1f: {  	_ =	swait.ge @!p0 [sflag:s11], $0x400  }
0x20: {  	[sflag:s11] =	ssyncset.done @!p0 $0x0;
	v0 =	vshll.u32 v0, $0x4  }
0x21: {  	[sflag:s11] =	ssyncadd.s32 @!p0 $0xFFFFFC00;
	(v2sf) =	vpush v0, $0x0  }
0x22: {  	_ =	swait.ge @!p0 [sflag:s11], $0x400  }
0x23: {  	(v2sf) =	vpush v0, $0x1  }
0x24: {  	[sflag:s11] =	ssyncset.done @!p0 $0x0;
	(v2sf) =	vpush v0, $0x2  }
0x25: {  	[sflag:s11] =	ssyncadd.s32 @!p0 $0xFFFFFC00;
	(v2sf) =	vpush v0, $0x3  }
0x26: {  	_ =	swait.ge @!p0 [sflag:s11], $0x400  }
0x27: {  	(v2sf) =	vpush v0, $0x4  }
0x28: {  	[sflag:s11] =	ssyncset.done @!p0 $0x0;
	(v2sf) =	vpush v0, $0x5  }
0x29: {  	[sflag:s11] =	ssyncadd.s32 @!p0 $0xFFFFFC00;
	(v2sf) =	vpush v0, $0x6  }
0x2a: {  	_ =	swait.ge @!p0 [sflag:s11], $0x400  }
0x2b: {  	(v2sf) =	vpush v0, $0x7  }
0x2c: {  	[sflag:s11] =	ssyncset.done @!p0 $0x0;
	(v2sf) =	vpush v0, $0x8  }
0x2d: {  	[sflag:s11] =	ssyncadd.s32 @!p0 $0xFFFFFC00;
	(v2sf) =	vpush v0, $0x9  }
0x2e: {  	_ =	swait.ge @!p0 [sflag:s11], $0x400  }
0x2f: {  	(v2sf) =	vpush v0, $0xA  }
0x30: {  	[sflag:s11] =	ssyncset.done @!p0 $0x0;
	(v2sf) =	vpush v0, $0xB  }
0x31: {  	[sflag:s11] =	ssyncadd.s32 @!p0 $0xFFFFFC00;
	(v2sf) =	vpush v0, $0xC  }
0x32: {  	_ =	swait.ge @!p0 [sflag:s11], $0x400  }
0x33: {  	(v2sf) =	vpush v0, $0xD  }
0x34: {  	[sflag:s11] =	ssyncset.done @!p0 $0x0;
	(v2sf) =	vpush v0, $0xE  }
0x35: {  	s16 =	spop (v2sf);
	[sflag:s11] =	ssyncadd.s32 @!p0 $0xFFFFFC00;
	(v2sf) =	vpush v0, $0xF  }
0x36: {  	_ =	swait.ge @!p0 [sflag:s11], $0x400  }
0x37: {  	s17 =	spop (v2sf)  }
0x38: {  	[sflag:s11] =	ssyncset.done @!p0 $0x0;
	s18 =	spop (v2sf)  }
0x39: {  	[sflag:s11] =	ssyncadd.s32 @!p0 $0xFFFFFC00;
	s19 =	spop (v2sf)  }
0x3a: {  	_ =	swait.ge @!p0 [sflag:s11], $0x400  }
0x3b: {  	s20 =	spop (v2sf)  }
0x3c: {  	[sflag:s11] =	ssyncset.done @!p0 $0x0;
	s21 =	spop (v2sf)  }
0x3d: {  	[sflag:s11] =	ssyncadd.s32 @!p0 $0xFFFFFC00;
	s22 =	spop (v2sf)  }
0x3e: {  	_ =	swait.ge @!p0 [sflag:s11], $0x400  }
0x3f: {  	s23 =	spop (v2sf)  }
0x40: {  	[sflag:s11] =	ssyncset.done @!p0 $0x0;
	s24 =	spop (v2sf)  }
0x41: {  	[sflag:s11] =	ssyncadd.s32 @!p0 $0xFFFFFC00;
	s25 =	spop (v2sf)  }
0x42: {  	_ =	swait.ge @!p0 [sflag:s11], $0x400  }
0x43: {  	s26 =	spop (v2sf)  }
0x44: {  	[sflag:s11] =	ssyncset.done @!p0 $0x0;
	s28 =	spop (v2sf)  }
0x45: {  	[sflag:s11] =	ssyncadd.s32 @!p0 $0xFFFFFC00;
	s15 =	spop (v2sf)  }
0x46: {  	_ =	swait.ge @!p0 [sflag:s11], $0x400  }
0x47: {  	s14 =	spop (v2sf)  }
0x48: {  	[sflag:s11] =	ssyncset.done @!p0 $0x0;
	s12 =	spop (v2sf)  }
0x49: {  	[sflag:s11] =	ssyncadd.s32 @!p0 $0xFFFFFC00;
	s13 =	spop (v2sf)  }
0x4a: {  	_ =	swait.ge @!p0 [sflag:s11], $0x400  }
0x4b: {  	[sflag:s11] =	ssyncset.done @!p0 $0x0  }
0x4c: {  	[sflag:s11] =	ssyncadd.s32 @!p0 $0xFFFFFC00  }
0x4d: {  	_ =	swait.ge @!p0 [sflag:s11], $0x400  }
0x4e: {  	[sflag:s11] =	ssyncset.done @!p0 $0x0  }
0x4f: {  	[sflag:s11] =	ssyncadd.s32 @!p0 $0xFFFFFC00  }
0x50: {  	_ =	swait.ge @!p0 [sflag:s11], $0x400  }
0x51: {  	[sflag:s11] =	ssyncset.done @!p0 $0x0  }
0x52: {  	s16 =	sand.u32 $0xFFFFF80, s16;
	[sflag:s11] =	ssyncadd.s32 @!p0 $0xFFFFFC00  }
0x53: {  	s16 =	sadd.s32 s3, s16;
	s17 =	sand.u32 $0xFFFFF80, s17;
	_ =	swait.ge @!p0 [sflag:s11], $0x400  }
0x54: {  	s30 =	sand.u32 $0xFFFFF80, s18;
	s17 =	sadd.s32 s3, s17;
	[sflag:s11] =	ssyncset.done @!p0 $0x0  }
0x55: {  	s19 =	sand.u32 $0xFFFFF80, s19;
	s29 =	rddreg [dreg:$0x2];
	[sflag:s11] =	ssyncadd.s32 @!p0 $0xFFFFFC00  }
0x56: {  	[tilespmem:s8], [sflag:$0x1] =	stream.linear.gather [hbm4b:s16+s2], $0x400, $0x38;
	[tilespmem:$0x4200] =	vst v63  }
0x57: {  	s31 =	rddreg [dreg:$0x3];
	s11 =	sadd.s32 s3, s30;
	s30 =	sand.u32 $0xFFFFF80, s20  }
0x58: {  	[tilespmem:s29], [sflag:$0x1] =	stream.linear.gather [hbm4b:s17+s2], $0x400, $0x38;
	[tilespmem:$0x4200] =	vst v63  }
0x59: {  	s20 =	sand.u32 $0xFFFFF80, s22;
	s22 =	sand.u32 $0xFFFFF80, s23;
	s23 =	rddreg [dreg:$0x8]  }
0x5a: {  	[tilespmem:s31], [sflag:$0x1] =	stream.linear.gather [hbm4b:s11+s2], $0x400, $0x38;
	[tilespmem:$0x4200] =	vst v63  }
0x5b: {  	s16 =	sadd.s32 s3, s19;
	s29 =	rddreg [dreg:$0x4]  }
0x5c: {  	[tilespmem:s29], [sflag:$0x1] =	stream.linear.gather [hbm4b:s16+s2], $0x400, $0x38;
	[tilespmem:$0x4200] =	vst v63  }
0x5d: {  	s17 =	sand.u32 $0xFFFFF80, s21;
	s31 =	rddreg [dreg:$0x5];
	s11 =	sadd.s32 s3, s30  }
0x5e: {  	[tilespmem:s31], [sflag:$0x1] =	stream.linear.gather [hbm4b:s11+s2], $0x400, $0x38;
	[tilespmem:$0x4200] =	vst v63  }
0x5f: {  	p6 =	por $0x0, $0x0;
	s19 =	rddreg [dreg:$0x6];
	s16 =	sadd.s32 s3, s17  }
0x60: {  	[tilespmem:s19], [sflag:$0x1] =	stream.linear.gather [hbm4b:s16+s2], $0x400, $0x38;
	[tilespmem:$0x4200] =	vst v63  }
0x61: {  	s24 =	sand.u32 $0xFFFFF80, s24;
	s21 =	rddreg [dreg:$0x7];
	s11 =	sadd.s32 s3, s20  }
0x62: {  	[tilespmem:s21], [sflag:$0x1] =	stream.linear.gather [hbm4b:s11+s2], $0x400, $0x38;
	[tilespmem:$0x4200] =	vst v63  }
0x63: {  	s30 =	sand.u32 $0xFFFFF80, s25;
	s25 =	rddreg [dreg:$0xd];
	s16 =	sadd.s32 s3, s22  }
0x64: {  	[tilespmem:s23], [sflag:$0x1] =	stream.linear.gather [hbm4b:s16+s2], $0x400, $0x38;
	[tilespmem:$0x4200] =	vst v63  }
0x65: {  	s14 =	sand.u32 $0xFFFFF80, s14;
	s29 =	rddreg [dreg:$0x9];
	s11 =	sadd.s32 s3, s24  }
0x66: {  	[tilespmem:s29], [sflag:$0x1] =	stream.linear.gather [hbm4b:s11+s2], $0x400, $0x38;
	[tilespmem:$0x4200] =	vst v63  }
0x67: {  	s31 =	rddreg [dreg:$0xa];
	s19 =	sand.u32 $0xFFFFF80, s26;
	s16 =	sadd.s32 s3, s30  }
0x68: {  	[tilespmem:s31], [sflag:$0x1] =	stream.linear.gather [hbm4b:s16+s2], $0x400, $0x38;
	[tilespmem:$0x4200] =	vst v63  }
0x69: {  	s20 =	rddreg [dreg:$0xb];
	s21 =	sand.u32 $0xFFFFF80, s28;
	s11 =	sadd.s32 s3, s19  }
0x6a: {  	[tilespmem:s20], [sflag:$0x1] =	stream.linear.gather [hbm4b:s11+s2], $0x400, $0x38;
	[tilespmem:$0x4200] =	vst v63  }
0x6b: {  	s22 =	rddreg [dreg:$0xc];
	s24 =	sadd.s32 s3, s21;
	s23 =	sand.u32 $0xFFFFF80, s15  }
0x6c: {  	[tilespmem:s22], [sflag:$0x1] =	stream.linear.gather [hbm4b:s24+s2], $0x400, $0x38;
	[tilespmem:$0x4200] =	vst v63  }
0x6d: {  	p0 =	por p6, p6;
	s26 =	rddreg [dreg:$0xe];
	s11 =	sadd.s32 s3, s23  }
0x6e: {  	[tilespmem:s25], [sflag:$0x1] =	stream.linear.gather [hbm4b:s11+s2], $0x400, $0x38;
	[tilespmem:$0x4200] =	vst v63  }
0x6f: {  	s28 =	sand.u32 $0xFFFFF80, s12;
	s12 =	simm.s32 $0x10;
	s29 =	sadd.s32 s3, s14  }
0x70: {  	[tilespmem:s26], [sflag:$0x1] =	stream.linear.gather [hbm4b:s29+s2], $0x400, $0x38;
	[tilespmem:$0x4200] =	vst v63  }
0x71: {  	s30 =	rddreg [dreg:$0xf];
	s31 =	sand.u32 $0xFFFFF80, s13;
	s11 =	sadd.s32 s3, s28  }
0x72: {  	[tilespmem:s30], [sflag:$0x1] =	stream.linear.gather [hbm4b:s11+s2], $0x400, $0x38;
	[tilespmem:$0x4200] =	vst v63  }
0x73: {  	s13 =	rddreg [dreg:$0x10];
	s14 =	sadd.s32 s3, s31;
	s11 =	simm.s32 $0x80  }
.LBB2_2:
0x74: {  	[tilespmem:s13], [sflag:$0x1] =	stream.linear.gather [hbm4b:s14+s2], $0x400, $0x38;
	[tilespmem:$0x4200] =	vst v63  }
0x75: {  	s13 =	simm.s32 @!p0 $0x1;
	v0 =	vld [tilespmem:s12+$0x0]  }
0x76: {  	_ =	swait.ge @!p0 [sflag:s13], $0x400  }
0x77: {  	[sflag:s13] =	ssyncset.done @!p0 $0x0  }
0x78: {  	[sflag:s13] =	ssyncadd.s32 @!p0 $0xFFFFFC00  }
0x79: {  	_ =	swait.ge @!p0 [sflag:s13], $0x400  }
0x7a: {  	[sflag:s13] =	ssyncset.done @!p0 $0x0;
	v0 =	vshll.u32 v0, $0x4  }
0x7b: {  	[sflag:s13] =	ssyncadd.s32 @!p0 $0xFFFFFC00;
	(v2sf) =	vpush v0, $0x0  }
0x7c: {  	_ =	swait.ge @!p0 [sflag:s13], $0x400  }
0x7d: {  	(v2sf) =	vpush v0, $0x1  }
0x7e: {  	[sflag:s13] =	ssyncset.done @!p0 $0x0;
	(v2sf) =	vpush v0, $0x2  }
0x7f: {  	[sflag:s13] =	ssyncadd.s32 @!p0 $0xFFFFFC00;
	(v2sf) =	vpush v0, $0x3  }
0x80: {  	_ =	swait.ge @!p0 [sflag:s13], $0x400  }
0x81: {  	(v2sf) =	vpush v0, $0x4  }
0x82: {  	[sflag:s13] =	ssyncset.done @!p0 $0x0;
	(v2sf) =	vpush v0, $0x5  }
0x83: {  	[sflag:s13] =	ssyncadd.s32 @!p0 $0xFFFFFC00;
	(v2sf) =	vpush v0, $0x6  }
0x84: {  	_ =	swait.ge @!p0 [sflag:s13], $0x400  }
0x85: {  	(v2sf) =	vpush v0, $0x7  }
0x86: {  	[sflag:s13] =	ssyncset.done @!p0 $0x0;
	(v2sf) =	vpush v0, $0x8  }
0x87: {  	[sflag:s13] =	ssyncadd.s32 @!p0 $0xFFFFFC00;
	(v2sf) =	vpush v0, $0x9  }
0x88: {  	_ =	swait.ge @!p0 [sflag:s13], $0x400  }
0x89: {  	(v2sf) =	vpush v0, $0xA  }
0x8a: {  	[sflag:s13] =	ssyncset.done @!p0 $0x0;
	(v2sf) =	vpush v0, $0xB  }
0x8b: {  	[sflag:s13] =	ssyncadd.s32 @!p0 $0xFFFFFC00;
	(v2sf) =	vpush v0, $0xC  }
0x8c: {  	_ =	swait.ge @!p0 [sflag:s13], $0x400  }
0x8d: {  	(v2sf) =	vpush v0, $0xD  }
0x8e: {  	[sflag:s13] =	ssyncset.done @!p0 $0x0;
	(v2sf) =	vpush v0, $0xE  }
0x8f: {  	s30 =	spop (v2sf);
	[sflag:s13] =	ssyncadd.s32 @!p0 $0xFFFFFC00;
	(v2sf) =	vpush v0, $0xF  }
0x90: {  	_ =	swait.ge @!p0 [sflag:s13], $0x400  }
0x91: {  	s31 =	spop (v2sf)  }
0x92: {  	[sflag:s13] =	ssyncset.done @!p0 $0x0;
	s15 =	spop (v2sf)  }
0x93: {  	[sflag:s13] =	ssyncadd.s32 @!p0 $0xFFFFFC00;
	s16 =	spop (v2sf)  }
0x94: {  	_ =	swait.ge @!p0 [sflag:s13], $0x400  }
0x95: {  	s17 =	spop (v2sf)  }
0x96: {  	[sflag:s13] =	ssyncset.done @!p0 $0x0;
	s18 =	spop (v2sf)  }
0x97: {  	[sflag:s13] =	ssyncadd.s32 @!p0 $0xFFFFFC00;
	s19 =	spop (v2sf)  }
0x98: {  	s29 =	smov.u32 s11;
	_ =	swait.ge @!p0 [sflag:s13], $0x400  }
0x99: {  	p2 =	seq.s32 s29, $0x0;
	s20 =	spop (v2sf)  }
0x9a: {  	s12 =	sshra.s32 s29, $0x2;
	[sflag:s13] =	ssyncset.done @!p0 $0x0;
	s21 =	spop (v2sf)  }
0x9b: {  	s29 =	sand.u32 $0xFFFFF80, s31;
	[sflag:s13] =	ssyncadd.s32 @!p0 $0xFFFFFC00;
	s31 =	spop (v2sf)  }
0x9c: {  	_ =	swait.ge @!p0 [sflag:s13], $0x400  }
0x9d: {  	s28 =	sand.u32 $0xFFFFF80, s15;
	s26 =	sand.u32 $0xFFFFF80, s16;
	s15 =	spop (v2sf)  }
0x9e: {  	s25 =	sand.u32 $0xFFFFF80, s17;
	[sflag:s13] =	ssyncset.done @!p0 $0x0;
	s16 =	spop (v2sf)  }
0x9f: {  	s24 =	sand.u32 $0xFFFFF80, s18;
	[sflag:s13] =	ssyncadd.s32 @!p0 $0xFFFFFC00;
	s17 =	spop (v2sf)  }
0xa0: {  	s23 =	sand.u32 $0xFFFFF80, s19;
	s22 =	sand.u32 $0xFFFFF80, s20;
	_ =	swait.ge @!p0 [sflag:s13], $0x400  }
0xa1: {  	s20 =	sand.u32 $0xFFFFF80, s31;
	s19 =	sand.u32 $0xFFFFF80, s15;
	s31 =	spop (v2sf)  }
0xa2: {  	s18 =	sand.u32 $0xFFFFF80, s16;
	[sflag:s13] =	ssyncset.done @!p0 $0x0;
	s15 =	spop (v2sf)  }
0xa3: {  	s16 =	sand.u32 $0xFFFFF80, s31;
	[sflag:s13] =	ssyncadd.s32 @!p0 $0xFFFFFC00;
	s31 =	spop (v2sf)  }
0xa4: {  	_ =	swait.ge @!p0 [sflag:s13], $0x400  }
0xa5: {  	[sflag:s13] =	ssyncset.done @!p0 $0x0  }
0xa6: {  	[sflag:s13] =	ssyncadd.s32 @!p0 $0xFFFFFC00  }
0xa7: {  	_ =	swait.ge @!p0 [sflag:s13], $0x400  }
0xa8: {  	[sflag:s13] =	ssyncset.done @!p0 $0x0  }
0xa9: {  	[sflag:s13] =	ssyncadd.s32 @!p0 $0xFFFFFC00  }
0xaa: {  	_ =	swait.ge @!p0 [sflag:s13], $0x400  }
0xab: {  	[sflag:s13] =	ssyncset.done @!p0 $0x0  }
0xac: {  	[sflag:s13] =	ssyncadd.s32 @!p0 $0xFFFFFC00  }
0xad: {  	_ =	swait.ge @!p0 [sflag:s13], $0x400  }
0xae: {  	s30 =	sand.u32 $0xFFFFF80, s30;
	[sflag:s13] =	ssyncset.done @!p0 $0x0  }
0xaf: {  	s14 =	sand.u32 $0xFFFFF80, s31;
	s31 =	sadd.s32 s3, s30;
	[sflag:s13] =	ssyncadd.s32 @!p0 $0xFFFFFC00  }
0xb0: {  	[tilespmem:s8], [sflag:$0x1] =	stream.linear.gather [hbm4b:s31+s2], $0x400, $0x38;
	[tilespmem:$0x4200] =	vst v63  }
0xb1: {  	s30 =	rddreg [dreg:$0x2];
	s31 =	sadd.s32 s3, s29  }
0xb2: {  	[tilespmem:s30], [sflag:$0x1] =	stream.linear.gather [hbm4b:s31+s2], $0x400, $0x38;
	[tilespmem:$0x4200] =	vst v63  }
0xb3: {  	s29 =	rddreg [dreg:$0x3];
	s31 =	sadd.s32 s3, s28  }
0xb4: {  	[tilespmem:s29], [sflag:$0x1] =	stream.linear.gather [hbm4b:s31+s2], $0x400, $0x38;
	[tilespmem:$0x4200] =	vst v63  }
0xb5: {  	s28 =	rddreg [dreg:$0x4];
	s30 =	sadd.s32 s3, s26  }
0xb6: {  	[tilespmem:s28], [sflag:$0x1] =	stream.linear.gather [hbm4b:s30+s2], $0x400, $0x38;
	[tilespmem:$0x4200] =	vst v63  }
0xb7: {  	s31 =	rddreg [dreg:$0x5];
	s28 =	sadd.s32 s3, s25  }
0xb8: {  	[tilespmem:s31], [sflag:$0x1] =	stream.linear.gather [hbm4b:s28+s2], $0x400, $0x38;
	[tilespmem:$0x4200] =	vst v63  }
0xb9: {  	s29 =	rddreg [dreg:$0x6];
	s30 =	sadd.s32 s3, s24  }
0xba: {  	[tilespmem:s29], [sflag:$0x1] =	stream.linear.gather [hbm4b:s30+s2], $0x400, $0x38;
	[tilespmem:$0x4200] =	vst v63  }
0xbb: {  	s25 =	sadd.s32 s3, s23;
	s31 =	rddreg [dreg:$0x7]  }
0xbc: {  	[tilespmem:s31], [sflag:$0x1] =	stream.linear.gather [hbm4b:s25+s2], $0x400, $0x38;
	[tilespmem:$0x4200] =	vst v63  }
0xbd: {  	s21 =	sand.u32 $0xFFFFF80, s21;
	s26 =	rddreg [dreg:$0x8];
	s28 =	sadd.s32 s3, s22  }
0xbe: {  	[tilespmem:s26], [sflag:$0x1] =	stream.linear.gather [hbm4b:s28+s2], $0x400, $0x38;
	[tilespmem:$0x4200] =	vst v63  }
0xbf: {  	s29 =	rddreg [dreg:$0x9];
	s30 =	sadd.s32 s3, s21  }
0xc0: {  	[tilespmem:s29], [sflag:$0x1] =	stream.linear.gather [hbm4b:s30+s2], $0x400, $0x38;
	[tilespmem:$0x4200] =	vst v63  }
0xc1: {  	s20 =	sadd.s32 s3, s20;
	s31 =	rddreg [dreg:$0xa]  }
0xc2: {  	[tilespmem:s31], [sflag:$0x1] =	stream.linear.gather [hbm4b:s20+s2], $0x400, $0x38;
	[tilespmem:$0x4200] =	vst v63  }
0xc3: {  	s11 =	sadd.s32 $0x40, s11;
	s23 =	sadd.s32 s3, s19;
	s22 =	rddreg [dreg:$0xb]  }
0xc4: {  	[tilespmem:s22], [sflag:$0x1] =	stream.linear.gather [hbm4b:s23+s2], $0x400, $0x38;
	[tilespmem:$0x4200] =	vst v63  }
0xc5: {  	s17 =	sand.u32 $0xFFFFF80, s17;
	s24 =	rddreg [dreg:$0xc];
	s25 =	sadd.s32 s3, s18  }
0xc6: {  	[tilespmem:s24], [sflag:$0x1] =	stream.linear.gather [hbm4b:s25+s2], $0x400, $0x38;
	[tilespmem:$0x4200] =	vst v63  }
0xc7: {  	p1 =	sne.s32 s11, $0x800;
	s26 =	rddreg [dreg:$0xd];
	s28 =	sadd.s32 s3, s17  }
0xc8: {  	[tilespmem:s26], [sflag:$0x1] =	stream.linear.gather [hbm4b:s28+s2], $0x400, $0x38;
	[tilespmem:$0x4200] =	vst v63  }
.Ltmp0:
0xc9: {  	s15 =	sand.u32 $0xFFFFF80, s15;
	s13 =	rddreg [dreg:$0x10];
	(pc) =	sbr.rel @p1 .LBB2_2-.Ltmp0, $4  }
0xca: {  	s15 =	sadd.s32 s3, s15;
	s29 =	rddreg [dreg:$0xe];
	s30 =	sadd.s32 s3, s16  }
0xcb: {  	[tilespmem:s29], [sflag:$0x1] =	stream.linear.gather [hbm4b:s30+s2], $0x400, $0x38;
	[tilespmem:$0x4200] =	vst v63  }
0xcc: {  	s14 =	sadd.s32 s3, s14;
	p0 =	por p2, p2;
	s31 =	rddreg [dreg:$0xf]  }
0xcd: {  	[tilespmem:s31], [sflag:$0x1] =	stream.linear.gather [hbm4b:s15+s2], $0x400, $0x38;
	[tilespmem:$0x4200] =	vst v63  }
0xce: {  	[tilespmem:s13], [sflag:$0x1] =	stream.linear.gather [hbm4b:s14+s2], $0x400, $0x38;
	[tilespmem:$0x4200] =	vst v63  }
0xcf: {  	s11 =	simm.s32 @!p0 $0x1;
	v0 =	vld [tilespmem:s12+$0x0]  }
0xd0: {  	_ =	swait.ge @!p0 [sflag:s11], $0x400  }
0xd1: {  	[sflag:s11] =	ssyncset.done @!p0 $0x0  }
0xd2: {  	[sflag:s11] =	ssyncadd.s32 @!p0 $0xFFFFFC00  }
0xd3: {  	_ =	swait.ge @!p0 [sflag:s11], $0x400  }
0xd4: {  	[sflag:s11] =	ssyncset.done @!p0 $0x0;
	v0 =	vshll.u32 v0, $0x4  }
0xd5: {  	[sflag:s11] =	ssyncadd.s32 @!p0 $0xFFFFFC00;
	(v2sf) =	vpush v0, $0x0  }
0xd6: {  	_ =	swait.ge @!p0 [sflag:s11], $0x400  }
0xd7: {  	(v2sf) =	vpush v0, $0x1  }
0xd8: {  	[sflag:s11] =	ssyncset.done @!p0 $0x0;
	(v2sf) =	vpush v0, $0x2  }
0xd9: {  	[sflag:s11] =	ssyncadd.s32 @!p0 $0xFFFFFC00;
	(v2sf) =	vpush v0, $0x3  }
0xda: {  	_ =	swait.ge @!p0 [sflag:s11], $0x400  }
0xdb: {  	(v2sf) =	vpush v0, $0x4  }
0xdc: {  	[sflag:s11] =	ssyncset.done @!p0 $0x0;
	(v2sf) =	vpush v0, $0x5  }
0xdd: {  	[sflag:s11] =	ssyncadd.s32 @!p0 $0xFFFFFC00;
	(v2sf) =	vpush v0, $0x6  }
0xde: {  	_ =	swait.ge @!p0 [sflag:s11], $0x400  }
0xdf: {  	(v2sf) =	vpush v0, $0x7  }
0xe0: {  	[sflag:s11] =	ssyncset.done @!p0 $0x0;
	(v2sf) =	vpush v0, $0x8  }
0xe1: {  	[sflag:s11] =	ssyncadd.s32 @!p0 $0xFFFFFC00;
	(v2sf) =	vpush v0, $0x9  }
0xe2: {  	_ =	swait.ge @!p0 [sflag:s11], $0x400  }
0xe3: {  	(v2sf) =	vpush v0, $0xA  }
0xe4: {  	[sflag:s11] =	ssyncset.done @!p0 $0x0;
	(v2sf) =	vpush v0, $0xB  }
0xe5: {  	[sflag:s11] =	ssyncadd.s32 @!p0 $0xFFFFFC00;
	(v2sf) =	vpush v0, $0xC  }
0xe6: {  	_ =	swait.ge @!p0 [sflag:s11], $0x400  }
0xe7: {  	(v2sf) =	vpush v0, $0xD  }
0xe8: {  	[sflag:s11] =	ssyncset.done @!p0 $0x0;
	(v2sf) =	vpush v0, $0xE  }
0xe9: {  	s16 =	spop (v2sf);
	[sflag:s11] =	ssyncadd.s32 @!p0 $0xFFFFFC00;
	(v2sf) =	vpush v0, $0xF  }
0xea: {  	_ =	swait.ge @!p0 [sflag:s11], $0x400  }
0xeb: {  	s17 =	spop (v2sf)  }
0xec: {  	[sflag:s11] =	ssyncset.done @!p0 $0x0;
	s18 =	spop (v2sf)  }
0xed: {  	[sflag:s11] =	ssyncadd.s32 @!p0 $0xFFFFFC00;
	s19 =	spop (v2sf)  }
0xee: {  	_ =	swait.ge @!p0 [sflag:s11], $0x400  }
0xef: {  	s20 =	spop (v2sf)  }
0xf0: {  	[sflag:s11] =	ssyncset.done @!p0 $0x0;
	s21 =	spop (v2sf)  }
0xf1: {  	[sflag:s11] =	ssyncadd.s32 @!p0 $0xFFFFFC00;
	s22 =	spop (v2sf)  }
0xf2: {  	_ =	swait.ge @!p0 [sflag:s11], $0x400  }
0xf3: {  	s23 =	spop (v2sf)  }
0xf4: {  	[sflag:s11] =	ssyncset.done @!p0 $0x0;
	s24 =	spop (v2sf)  }
0xf5: {  	[sflag:s11] =	ssyncadd.s32 @!p0 $0xFFFFFC00;
	s25 =	spop (v2sf)  }
0xf6: {  	_ =	swait.ge @!p0 [sflag:s11], $0x400  }
0xf7: {  	s26 =	spop (v2sf)  }
0xf8: {  	[sflag:s11] =	ssyncset.done @!p0 $0x0;
	s28 =	spop (v2sf)  }
0xf9: {  	[sflag:s11] =	ssyncadd.s32 @!p0 $0xFFFFFC00;
	s15 =	spop (v2sf)  }
0xfa: {  	_ =	swait.ge @!p0 [sflag:s11], $0x400  }
0xfb: {  	s14 =	spop (v2sf)  }
0xfc: {  	[sflag:s11] =	ssyncset.done @!p0 $0x0;
	s13 =	spop (v2sf)  }
0xfd: {  	[sflag:s11] =	ssyncadd.s32 @!p0 $0xFFFFFC00;
	s12 =	spop (v2sf)  }
0xfe: {  	_ =	swait.ge @!p0 [sflag:s11], $0x400  }
0xff: {  	[sflag:s11] =	ssyncset.done @!p0 $0x0  }
0x100: {  	[sflag:s11] =	ssyncadd.s32 @!p0 $0xFFFFFC00  }
0x101: {  	_ =	swait.ge @!p0 [sflag:s11], $0x400  }
0x102: {  	[sflag:s11] =	ssyncset.done @!p0 $0x0  }
0x103: {  	[sflag:s11] =	ssyncadd.s32 @!p0 $0xFFFFFC00  }
0x104: {  	_ =	swait.ge @!p0 [sflag:s11], $0x400  }
0x105: {  	[sflag:s11] =	ssyncset.done @!p0 $0x0  }
0x106: {  	[sflag:s11] =	ssyncadd.s32 @!p0 $0xFFFFFC00  }
0x107: {  	_ =	swait.ge @!p0 [sflag:s11], $0x400  }
0x108: {  	s16 =	sand.u32 $0xFFFFF80, s16;
	[sflag:s11] =	ssyncset.done @!p0 $0x0  }
0x109: {  	s16 =	sadd.s32 s3, s16;
	s17 =	sand.u32 $0xFFFFF80, s17;
	[sflag:s11] =	ssyncadd.s32 @!p0 $0xFFFFFC00  }
0x10a: {  	[tilespmem:s8], [sflag:$0x1] =	stream.linear.gather [hbm4b:s16+s2], $0x400, $0x38;
	[tilespmem:$0x4200] =	vst v63  }
0x10b: {  	s30 =	sand.u32 $0xFFFFF80, s18;
	s17 =	sadd.s32 s3, s17;
	s29 =	rddreg [dreg:$0x2]  }
0x10c: {  	[tilespmem:s29], [sflag:$0x1] =	stream.linear.gather [hbm4b:s17+s2], $0x400, $0x38;
	[tilespmem:$0x4200] =	vst v63  }
0x10d: {  	s19 =	sand.u32 $0xFFFFF80, s19;
	s31 =	rddreg [dreg:$0x3];
	s11 =	sadd.s32 s3, s30  }
0x10e: {  	[tilespmem:s31], [sflag:$0x1] =	stream.linear.gather [hbm4b:s11+s2], $0x400, $0x38;
	[tilespmem:$0x4200] =	vst v63  }
0x10f: {  	s30 =	sand.u32 $0xFFFFF80, s20;
	s16 =	sadd.s32 s3, s19;
	s29 =	rddreg [dreg:$0x4]  }
0x110: {  	[tilespmem:s29], [sflag:$0x1] =	stream.linear.gather [hbm4b:s16+s2], $0x400, $0x38;
	[tilespmem:$0x4200] =	vst v63  }
0x111: {  	s17 =	sand.u32 $0xFFFFF80, s21;
	s31 =	rddreg [dreg:$0x5];
	s11 =	sadd.s32 s3, s30  }
0x112: {  	[tilespmem:s31], [sflag:$0x1] =	stream.linear.gather [hbm4b:s11+s2], $0x400, $0x38;
	[tilespmem:$0x4200] =	vst v63  }
0x113: {  	s20 =	sand.u32 $0xFFFFF80, s22;
	s19 =	rddreg [dreg:$0x6];
	s16 =	sadd.s32 s3, s17  }
0x114: {  	[tilespmem:s19], [sflag:$0x1] =	stream.linear.gather [hbm4b:s16+s2], $0x400, $0x38;
	[tilespmem:$0x4200] =	vst v63  }
0x115: {  	s22 =	sand.u32 $0xFFFFF80, s23;
	s21 =	rddreg [dreg:$0x7];
	s11 =	sadd.s32 s3, s20  }
0x116: {  	[tilespmem:s21], [sflag:$0x1] =	stream.linear.gather [hbm4b:s11+s2], $0x400, $0x38;
	[tilespmem:$0x4200] =	vst v63  }
0x117: {  	s24 =	sand.u32 $0xFFFFF80, s24;
	s23 =	rddreg [dreg:$0x8];
	s16 =	sadd.s32 s3, s22  }
0x118: {  	[tilespmem:s23], [sflag:$0x1] =	stream.linear.gather [hbm4b:s16+s2], $0x400, $0x38;
	[tilespmem:$0x4200] =	vst v63  }
0x119: {  	s30 =	sand.u32 $0xFFFFF80, s25;
	s29 =	rddreg [dreg:$0x9];
	s11 =	sadd.s32 s3, s24  }
0x11a: {  	[tilespmem:s29], [sflag:$0x1] =	stream.linear.gather [hbm4b:s11+s2], $0x400, $0x38;
	[tilespmem:$0x4200] =	vst v63  }
0x11b: {  	s18 =	sand.u32 $0xFFFFF80, s26;
	s31 =	rddreg [dreg:$0xa];
	s16 =	sadd.s32 s3, s30  }
0x11c: {  	[tilespmem:s31], [sflag:$0x1] =	stream.linear.gather [hbm4b:s16+s2], $0x400, $0x38;
	[tilespmem:$0x4200] =	vst v63  }
0x11d: {  	s20 =	sand.u32 $0xFFFFF80, s28;
	s19 =	rddreg [dreg:$0xb];
	s11 =	sadd.s32 s3, s18  }
0x11e: {  	[tilespmem:s19], [sflag:$0x1] =	stream.linear.gather [hbm4b:s11+s2], $0x400, $0x38;
	[tilespmem:$0x4200] =	vst v63  }
0x11f: {  	s22 =	sand.u32 $0xFFFFF80, s15;
	s21 =	rddreg [dreg:$0xc];
	s23 =	sadd.s32 s3, s20  }
0x120: {  	[tilespmem:s21], [sflag:$0x1] =	stream.linear.gather [hbm4b:s23+s2], $0x400, $0x38;
	[tilespmem:$0x4200] =	vst v63  }
0x121: {  	s14 =	sand.u32 $0xFFFFF80, s14;
	s24 =	rddreg [dreg:$0xd];
	s11 =	sadd.s32 s3, s22  }
0x122: {  	[tilespmem:s24], [sflag:$0x1] =	stream.linear.gather [hbm4b:s11+s2], $0x400, $0x38;
	[tilespmem:$0x4200] =	vst v63  }
0x123: {  	s26 =	sand.u32 $0xFFFFF80, s13;
	s25 =	rddreg [dreg:$0xe];
	s28 =	sadd.s32 s3, s14  }
0x124: {  	[tilespmem:s25], [sflag:$0x1] =	stream.linear.gather [hbm4b:s28+s2], $0x400, $0x38;
	[tilespmem:$0x4200] =	vst v63  }
0x125: {  	s12 =	sand.u32 $0xFFFFF80, s12;
	s29 =	rddreg [dreg:$0xf];
	s11 =	sadd.s32 s3, s26  }
0x126: {  	[tilespmem:s29], [sflag:$0x1] =	stream.linear.gather [hbm4b:s11+s2], $0x400, $0x38;
	[tilespmem:$0x4200] =	vst v63  }
0x127: {  	s30 =	rddreg [dreg:$0x10];
	s31 =	sadd.s32 s3, s12  }
0x128: {  	[tilespmem:s30], [sflag:$0x1] =	stream.linear.gather [hbm4b:s31+s2], $0x400, $0x38;
	[tilespmem:$0x4200] =	vst v63  }
0x129: {  	_ =	swait.ge [sflag:s9], $0x400  }
0x12a: {  	[sflag:s9] =	ssyncset.done $0x0  }
0x12b: {  	[sflag:s9] =	ssyncadd.s32 $0xFFFFFC00  }
0x12c: {  	_ =	swait.ge [sflag:s9], $0x400  }
0x12d: {  	[sflag:s9] =	ssyncset.done $0x0  }
0x12e: {  	[sflag:s9] =	ssyncadd.s32 $0xFFFFFC00  }
0x12f: {  	_ =	swait.ge [sflag:s9], $0x400  }
0x130: {  	[sflag:s9] =	ssyncset.done $0x0  }
0x131: {  	[sflag:s9] =	ssyncadd.s32 $0xFFFFFC00  }
0x132: {  	_ =	swait.ge [sflag:s9], $0x400  }
0x133: {  	[sflag:s9] =	ssyncset.done $0x0  }
0x134: {  	[sflag:s9] =	ssyncadd.s32 $0xFFFFFC00  }
0x135: {  	_ =	swait.ge [sflag:s9], $0x400  }
0x136: {  	[sflag:s9] =	ssyncset.done $0x0  }
0x137: {  	[sflag:s9] =	ssyncadd.s32 $0xFFFFFC00  }
0x138: {  	_ =	swait.ge [sflag:s9], $0x400  }
0x139: {  	[sflag:s9] =	ssyncset.done $0x0  }
0x13a: {  	[sflag:s9] =	ssyncadd.s32 $0xFFFFFC00  }
0x13b: {  	_ =	swait.ge [sflag:s9], $0x400  }
0x13c: {  	[sflag:s9] =	ssyncset.done $0x0  }
0x13d: {  	[sflag:s9] =	ssyncadd.s32 $0xFFFFFC00  }
0x13e: {  	_ =	swait.ge [sflag:s9], $0x400  }
0x13f: {  	[sflag:s9] =	ssyncset.done $0x0  }
0x140: {  	[sflag:s9] =	ssyncadd.s32 $0xFFFFFC00  }
0x141: {  	_ =	swait.ge [sflag:s9], $0x400  }
0x142: {  	[sflag:s9] =	ssyncset.done $0x0  }
0x143: {  	[sflag:s9] =	ssyncadd.s32 $0xFFFFFC00  }
0x144: {  	_ =	swait.ge [sflag:s9], $0x400  }
0x145: {  	[sflag:s9] =	ssyncset.done $0x0  }
0x146: {  	[sflag:s9] =	ssyncadd.s32 $0xFFFFFC00  }
0x147: {  	_ =	swait.ge [sflag:s9], $0x400  }
0x148: {  	[sflag:s9] =	ssyncset.done $0x0  }
0x149: {  	[sflag:s9] =	ssyncadd.s32 $0xFFFFFC00  }
0x14a: {  	_ =	swait.ge [sflag:s9], $0x400  }
0x14b: {  	[sflag:s9] =	ssyncset.done $0x0  }
0x14c: {  	[sflag:s9] =	ssyncadd.s32 $0xFFFFFC00  }
0x14d: {  	_ =	swait.ge [sflag:s9], $0x400  }
0x14e: {  	[sflag:s9] =	ssyncset.done $0x0  }
0x14f: {  	[sflag:s9] =	ssyncadd.s32 $0xFFFFFC00  }
0x150: {  	_ =	swait.ge [sflag:s9], $0x400  }
0x151: {  	[sflag:s9] =	ssyncset.done $0x0  }
0x152: {  	[sflag:s9] =	ssyncadd.s32 $0xFFFFFC00  }
0x153: {  	_ =	swait.ge [sflag:s9], $0x400  }
0x154: {  	[sflag:s9] =	ssyncset.done $0x0  }
0x155: {  	[sflag:s9] =	ssyncadd.s32 $0xFFFFFC00  }
0x156: {  	s10 =	sadd.s32 $0x1, s10;
	_ =	swait.ge [sflag:s9], $0x400  }
0x157: {  	p0 =	sne.s32 s10, s6;
	[sflag:s9] =	ssyncset.done $0x0  }
.Ltmp1:
0x158: {  	[sflag:s9] =	ssyncadd.s32 $0xFFFFFC00;
	(pc) =	sbr.rel @p0 .LBB2_1-.Ltmp1, $4  }
0x159: {  	[hbm4b:s5+s2] =	stream.linear.scatter [tilespmem:s8], [sflag:$0x2], $0x400, $0x38;
	[tilespmem:$0x4200] =	vst v63  }
0x15a: {  	_ =	swait.ge [sflag:s7], $0x400  }
0x15b: {  	[sflag:s7] =	ssyncset.done $0x0  }
0x15c: {  	[sflag:s7] =	ssyncadd.s32 $0xFFFFFC00  }
0x15d: {  	_ =	sfence.sel $0x180000  }
0x15e: {  	[bflag:$0x0] =	sbarrier.arrive $0xFFFF  }
0x15f: {  	p0 =	sne.s32 s1, $0x0;
	_ =	strace $0x90000047  }
0x160: {  	s0 =	sadd.s32 @!p0 $0x100000, s0;
	[bflag:$0x2] =	sbarrier.arrive $0xFFFF  }
0x161: {  	[sflag:s0] =	ssyncadd.tile.s32 @!p0 $0x1;
	_ =	shalt  }
.Lfunc_end2:
_tile_overlayer_lowered:
.L_overlay_start_2:
0x162: {  	(tag) =	ssettag $0x2  }
0x163: {  	s0 =	rddreg [dreg:$0x0];
	s2 =	stileid.u32  }
0x164: {  	s1 =	rddreg [dreg:$0x1];
	p0 =	sne.s32 s2, $0x0  }
0x165: {  	s3 =	rddreg [dreg:$0x2];
	[bflag:$0x3] =	sbarrier.arrive $0xFFFF;
	s2 =	simm.s32 @!p0 $0x1C02  }
0x166: {  	[timem:s3], [sflag:s2] =	dma.local @!p0 [hbm:s0], s1  }
0x167: {  	s0 =	simm.s32 @!p0 $0x2  }
0x168: {  	_ =	swait.ge @!p0 [sflag:s0], s1  }
0x169: {  	s1 =	ssub.s32 @!p0 $0x0, s1;
	[sflag:s0] =	ssyncset.done @!p0 $0x0  }
0x16a: {  	[sflag:s0] =	ssyncadd.s32 @!p0 s1  }
0x16b: {  	[bflag:$0x3] =	sbarrier.arrive $0xFFFF  }
0x16c: {  	_ =	shalt  }

</sc_bundles>
